<compile_context>
chip_gen: v7x
topology: tpu7x:2x2x1
jax: 0.10.2.dev20260603
libtpu: 0.0.44.dev20260713+nightly
codegen_flags: <defaults>
</compile_context>

<pallas_src>
import functools

import jax
import jax.numpy as jnp
from jax import lax
from jax.experimental import pallas as pl
from jax.experimental.pallas import tpu as pltpu
from jax.experimental.pallas import tpu_sc as plsc

B, NPG, D = 10, 1000, 128
N = B * NPG
NP = 10240
E = 320000
NC, NS = 2, 16
NW = NC * NS
EPW = E // NW
CH, K = 125, 80
ROWS_PT = NP // NS

_mesh = plsc.VectorSubcoreMesh(core_axis_name="c", subcore_axis_name="s")



@functools.partial(
    pl.kernel,
    out_type=jax.ShapeDtypeStruct((NC, NP), jnp.float32),
    mesh=_mesh,
    scratch_types=[
        pltpu.VMEM((K, CH), jnp.int32),
        pltpu.VMEM((128,), jnp.float32),
        pltpu.VMEM((NP,), jnp.float32),
        pltpu.VMEM_SHARED((NP,), jnp.float32),
    ],
)
def _deg_kernel(dst_hbm, out_hbm, idx_v, ones_v, zero_v, acc_s):
    c = lax.axis_index("c")
    s = lax.axis_index("s")
    pltpu.sync_copy(dst_hbm.at[c, s], idx_v)
    one16 = jnp.ones((16,), jnp.float32)
    for i in range(8):
        ones_v[pl.ds(i * 16, 16)] = one16

    @pl.when(s == 0)
    def _():
        zero16 = jnp.zeros((16,), jnp.float32)

        def zbody(i, carry):
            zero_v[pl.ds(i * 16, 16)] = zero16
            return carry

        lax.fori_loop(0, NP // 16, zbody, 0)
        pltpu.sync_copy(zero_v, acc_s)

    plsc.subcore_barrier()

    def body(j, carry):
        pltpu.sync_copy(ones_v.at[pl.ds(0, CH)], acc_s.at[idx_v.at[j]], add=True)
        return carry

    lax.fori_loop(0, K, body, 0)
    plsc.subcore_barrier()
    base = s * ROWS_PT
    pltpu.sync_copy(acc_s.at[pl.ds(base, ROWS_PT)],
                    out_hbm.at[c].at[pl.ds(base, ROWS_PT)])


@functools.partial(
    pl.kernel,
    out_type=jax.ShapeDtypeStruct((NC, NP, D), jnp.float32),
    mesh=_mesh,
    scratch_types=[
        pltpu.VMEM((EPW,), jnp.int32),
        pltpu.VMEM((CH, K), jnp.int32),
        pltpu.VMEM((K, D), jnp.float32),
        pltpu.VMEM((K, D), jnp.float32),
        pltpu.VMEM_SHARED((NP, D), jnp.float32),
        pltpu.SemaphoreType.DMA,
        pltpu.SemaphoreType.DMA,
        pltpu.SemaphoreType.DMA,
        pltpu.SemaphoreType.DMA,
    ],
)
def _mp_kernel(hw_hbm, src_hbm, dst_hbm, out_hbm,
               src_v, dst_v, buf0, buf1, acc_s, sem0, sem0b, sem1, sem1b):
    c = lax.axis_index("c")
    s = lax.axis_index("s")
    pltpu.sync_copy(src_hbm.at[c, s], src_v)
    pltpu.sync_copy(dst_hbm.at[c, s], dst_v)

    H = K // 2

    def _gather(j, buf, sa, sb):
        pltpu.async_copy(hw_hbm.at[src_v.at[pl.ds(j * K, H)]],
                         buf.at[pl.ds(0, H)], sa)
        pltpu.async_copy(hw_hbm.at[src_v.at[pl.ds(j * K + H, H)]],
                         buf.at[pl.ds(H, H)], sb)

    def _wait(buf, sa, sb):
        pltpu.make_async_copy(hw_hbm.at[pl.ds(0, H)], buf.at[pl.ds(0, H)], sa).wait()
        pltpu.make_async_copy(hw_hbm.at[pl.ds(0, H)], buf.at[pl.ds(H, H)], sb).wait()

    _gather(0, buf0, sem0, sem0b)

    zero16 = jnp.zeros((16,), jnp.float32)

    def zbody(i, carry):
        for t in range(D // 16):
            buf1[i, pl.ds(t * 16, 16)] = zero16
        return carry

    lax.fori_loop(0, K, zbody, 0)
    base = s * ROWS_PT
    for r in range(ROWS_PT // K):
        pltpu.sync_copy(buf1, acc_s.at[pl.ds(base + r * K, K)])
    plsc.subcore_barrier()

    def body(i, carry):
        j0 = 2 * i
        _wait(buf0, sem0, sem0b)
        _gather(j0 + 1, buf1, sem1, sem1b)
        pltpu.sync_copy(buf0, acc_s.at[dst_v.at[j0]], add=True)
        _wait(buf1, sem1, sem1b)
        _gather(j0 + 2, buf0, sem0, sem0b)
        pltpu.sync_copy(buf1, acc_s.at[dst_v.at[j0 + 1]], add=True)
        return carry

    lax.fori_loop(0, CH // 2, body, 0)
    _wait(buf0, sem0, sem0b)
    pltpu.sync_copy(buf0, acc_s.at[dst_v.at[CH - 1]], add=True)
    plsc.subcore_barrier()
    pltpu.sync_copy(acc_s.at[pl.ds(base, ROWS_PT)],
                    out_hbm.at[c].at[pl.ds(base, ROWS_PT)])



RB = 2048
RB3 = 2000
_DN = (((1,), (1,)), ((), ()))


def _tc1a_body(x_ref, w_ref, hw_ref):
    hw_ref[...] = lax.dot_general(
        x_ref[...], w_ref[...], _DN, preferred_element_type=jnp.float32)


_tc1a = pl.pallas_call(
    _tc1a_body,
    grid=(NP // RB,),
    in_specs=[
        pl.BlockSpec((RB, D), lambda i: (i, 0)),
        pl.BlockSpec((D, D), lambda i: (0, 0)),
    ],
    out_specs=pl.BlockSpec((RB, D), lambda i: (i, 0)),
    out_shape=jax.ShapeDtypeStruct((NP, D), jnp.float32),
)


def _tc1b_body(hw_ref, deg_ref, hwp_ref, dis_ref):
    deg = deg_ref[0, :] + deg_ref[1, :] + 1.0
    dis = lax.rsqrt(deg)[:, None]
    dis_ref[...] = dis
    hwp_ref[...] = hw_ref[...] * dis


_tc1b = pl.pallas_call(
    _tc1b_body,
    grid=(NP // RB,),
    in_specs=[
        pl.BlockSpec((RB, D), lambda i: (i, 0)),
        pl.BlockSpec((NC, RB), lambda i: (0, i)),
    ],
    out_specs=[
        pl.BlockSpec((RB, D), lambda i: (i, 0)),
        pl.BlockSpec((RB, 1), lambda i: (i, 0)),
    ],
    out_shape=[
        jax.ShapeDtypeStruct((NP, D), jnp.float32),
        jax.ShapeDtypeStruct((NP, 1), jnp.float32),
    ],
)


def _tc2_body(s_ref, hw_ref, dis_ref, b_ref, w_ref, out_ref):
    t = s_ref[0] + s_ref[1] + hw_ref[...]
    h = jnp.maximum(dis_ref[...] * t + b_ref[...], 0.0)
    out_ref[...] = lax.dot_general(
        h, w_ref[...], _DN, preferred_element_type=jnp.float32) * dis_ref[...]


_tc2 = pl.pallas_call(
    _tc2_body,
    grid=(NP // RB,),
    in_specs=[
        pl.BlockSpec((NC, RB, D), lambda i: (0, i, 0)),
        pl.BlockSpec((RB, D), lambda i: (i, 0)),
        pl.BlockSpec((RB, 1), lambda i: (i, 0)),
        pl.BlockSpec((1, D), lambda i: (0, 0)),
        pl.BlockSpec((D, D), lambda i: (0, 0)),
    ],
    out_specs=pl.BlockSpec((RB, D), lambda i: (i, 0)),
    out_shape=jax.ShapeDtypeStruct((NP, D), jnp.float32),
)


def _tc3_body(s_ref, hw_ref, dis_ref, b_ref, x_ref, out_ref):
    t = s_ref[0] + s_ref[1] + hw_ref[...]
    h = jnp.maximum(dis_ref[...] * t + b_ref[...], 0.0)
    out_ref[...] = x_ref[...] + h


_tc3 = pl.pallas_call(
    _tc3_body,
    grid=(N // RB3,),
    in_specs=[
        pl.BlockSpec((NC, RB3, D), lambda i: (0, i, 0)),
        pl.BlockSpec((RB3, D), lambda i: (i, 0)),
        pl.BlockSpec((RB3, 1), lambda i: (i, 0)),
        pl.BlockSpec((1, D), lambda i: (0, 0)),
        pl.BlockSpec((RB3, D), lambda i: (i, 0)),
    ],
    out_specs=pl.BlockSpec((RB3, D), lambda i: (i, 0)),
    out_shape=jax.ShapeDtypeStruct((N, D), jnp.float32),
)


def kernel(x, edge_index, x_mask, W1, b1, W2, b2):
    del x_mask
    x2d = x.reshape(N, D)
    xpad = jnp.pad(x2d, ((0, NP - N), (0, 0)))
    src = edge_index[0].reshape(NC, NS, EPW)
    dst = edge_index[1].reshape(NC, NS, CH, K)
    b1r = b1.reshape(1, D)
    b2r = b2.reshape(1, D)

    degp = _deg_kernel(dst.reshape(NC, NS, K, CH))
    hw1raw = _tc1a(xpad, W1)
    hw1p, dis = _tc1b(hw1raw, degp)
    s1 = _mp_kernel(hw1p, src, dst)
    hw2p = _tc2(s1, hw1p, dis, b1r, W2)
    s2 = _mp_kernel(hw2p, src, dst)
    out2d = _tc3(s2, hw2p, dis, b2r, x2d)
    return out2d.reshape(B, NPG, D)

# --- scband reference (transcript-rebuilt; emitter-appended) ---
"""Pipeline reference for scband-geometric-gnn-49100066128530 (READ-ONLY COPY).

The authoritative reference and input builder live on the scoring server;
editing this copy changes nothing except your own understanding.
"""

import jax, jax.numpy as jnp
import numpy as np

B, NPG, D = 10, 1000, 128
N = B * NPG
E = 320000


def setup_inputs(seed: int = 0) -> dict:
    key = jax.random.key(seed)
    ks = jax.random.split(key, 8)
    x = jax.random.normal(ks[0], (B, NPG, D), dtype=jnp.float32)
    edge_index = jax.random.randint(ks[1], (2, E), 0, N, dtype=jnp.int32)
    x_mask = jnp.ones((B, NPG), dtype=jnp.bool_)
    scale = 1.0 / np.sqrt(D)
    W1 = jax.random.normal(ks[2], (D, D), dtype=jnp.float32) * scale
    b1 = jax.random.normal(ks[3], (D,), dtype=jnp.float32) * 0.01
    W2 = jax.random.normal(ks[4], (D, D), dtype=jnp.float32) * scale
    b2 = jax.random.normal(ks[5], (D,), dtype=jnp.float32) * 0.01
    return {"x": x, "edge_index": edge_index, "x_mask": x_mask, "W1": W1, "b1": b1, "W2": W2, "b2": b2}


def _gcn_layer(h, W, b, src, dst, n):
    # PyG GCNConv: linear transform, add self loops, symmetric normalization, sum-aggregate, bias
    h = h @ W.T
    loop = jnp.arange(n, dtype=src.dtype)
    src2 = jnp.concatenate([src, loop])
    dst2 = jnp.concatenate([dst, loop])
    deg = jnp.zeros((n,), h.dtype).at[dst2].add(1.0)
    dis = jnp.where(deg > 0, jax.lax.rsqrt(jnp.maximum(deg, 1e-12)), 0.0)
    norm = dis[src2] * dis[dst2]
    msg = h[src2] * norm[:, None]
    out = jnp.zeros_like(h).at[dst2].add(msg) + b
    return out


def reference(x, edge_index, x_mask, W1, b1, W2, b2):
    use_super_node = 0  # False
    mask = x_mask.reshape(-1).astype(bool)
    res = x
    xf = x[:, use_super_node:, :].reshape(-1, x.shape[-1])
    # boolean select via nonzero (size= makes it trace-safe; mask is all-True here)
    idx = jnp.nonzero(mask, size=mask.shape[0], fill_value=0)[0]
    xg = xf[idx]
    n = xg.shape[0]
    src, dst = edge_index[0], edge_index[1]
    # layer 1: conv -> relu -> dropout(p=0, identity)
    xg = jax.nn.relu(_gcn_layer(xg, W1, b1, src, dst, n))
    # layer 2
    xg = jax.nn.relu(_gcn_layer(xg, W2, b2, src, dst, n))
    x_zeros = jnp.zeros_like(xf).at[idx].set(xg)
    res = res + x_zeros.reshape(res.shape[0], -1, xf.shape[-1])
    return res

if __name__ == "__main__":
    import jax
    _d = setup_inputs()
    print(jax.jit(kernel)(*tuple(_d.values())))

</pallas_src>

<mosaic_0001>
#map = affine_map<(d0, d1) -> (0, 0)>
#map1 = affine_map<(d0, d1) -> (0, 0, 0)>
#map2 = affine_map<(d0, d1) -> (0, 0, 0, 0)>
module attributes {stable_mosaic.version = 14 : i64} {
  func.func @_mp_kernel(%arg0: i32, %arg1: i32, %arg2: memref<10240x128xf32, #tpu.memory_space<hbm>>, %arg3: memref<2x16x10000xi32, #tpu.memory_space<hbm>>, %arg4: memref<2x16x125x80xi32, #tpu.memory_space<hbm>>, %arg5: memref<2x10240x128xf32, #tpu.memory_space<hbm>>, %arg6: memref<10000xi32, #tpu.memory_space<vmem>>, %arg7: memref<125x80xi32, #tpu.memory_space<vmem>>, %arg8: memref<80x128xf32, #tpu.memory_space<vmem>>, %arg9: memref<80x128xf32, #tpu.memory_space<vmem>>, %arg10: memref<10240x128xf32, #tpu.memory_space<vmem_shared>>, %arg11: memref<!tpu.dma_semaphore, #tpu.memory_space<semaphore_mem>>, %arg12: memref<!tpu.dma_semaphore, #tpu.memory_space<semaphore_mem>>, %arg13: memref<!tpu.dma_semaphore, #tpu.memory_space<semaphore_mem>>, %arg14: memref<!tpu.dma_semaphore, #tpu.memory_space<semaphore_mem>>) attributes {dimension_semantics = [#tpu.dimension_semantics<core_parallel>, #tpu.dimension_semantics<subcore_parallel>], iteration_bounds = array<i64: 2, 16>, scalar_prefetch = 0 : i64, scratch_operands = 9 : i64, tpu.core_type = #tpu.core_type<sc_vector_subcore>, window_params = [{transform_indices = #map}, {transform_indices = #map1}, {transform_indices = #map2}, {transform_indices = #map1}]} {
    "tpu.region"() ({
      %run_scoped3A_67 = tpu.sem_alloc : memref<!tpu.dma_semaphore, #tpu.memory_space<semaphore_mem>>
      %dma_start3A_68 = arith.constant 0 : i32
      %dma_start3A_69 = tpu.memref_slice %arg3[%arg0, %arg1, %dma_start3A_68] : memref<2x16x10000xi32, #tpu.memory_space<hbm>> -> memref<1x1x10000xi32, #tpu.memory_space<hbm>>
      %dma_start3A_70 = tpu.memref_squeeze %dma_start3A_69 : memref<1x1x10000xi32, #tpu.memory_space<hbm>> -> memref<10000xi32, #tpu.memory_space<hbm>>
      %dma_start3A_71 = arith.constant 0 : i32
      %dma_start3A_72 = tpu.memref_slice %arg3[%arg0, %arg1, %dma_start3A_71] : memref<2x16x10000xi32, #tpu.memory_space<hbm>> -> memref<1x1x10000xi32, #tpu.memory_space<hbm>>
      %dma_start3A_73 = tpu.memref_squeeze %dma_start3A_72 : memref<1x1x10000xi32, #tpu.memory_space<hbm>> -> memref<10000xi32, #tpu.memory_space<hbm>>
      tpu.enqueue_dma source(%dma_start3A_73 : memref<10000xi32, #tpu.memory_space<hbm>>) target(%arg6 : memref<10000xi32, #tpu.memory_space<vmem>>) target_semaphore(%run_scoped3A_67 : memref<!tpu.dma_semaphore, #tpu.memory_space<semaphore_mem>>)
      %dma_wait3A_74 = arith.constant 0 : i32
      %dma_wait3A_75 = tpu.memref_slice %arg3[%arg0, %arg1, %dma_wait3A_74] : memref<2x16x10000xi32, #tpu.memory_space<hbm>> -> memref<1x1x10000xi32, #tpu.memory_space<hbm>>
      %dma_wait3A_76 = tpu.memref_squeeze %dma_wait3A_75 : memref<1x1x10000xi32, #tpu.memory_space<hbm>> -> memref<10000xi32, #tpu.memory_space<hbm>>
      %dma_wait3A_77 = arith.constant 0 : i32
      %dma_wait3A_78 = tpu.memref_slice %arg3[%arg0, %arg1, %dma_wait3A_77] : memref<2x16x10000xi32, #tpu.memory_space<hbm>> -> memref<1x1x10000xi32, #tpu.memory_space<hbm>>
      %dma_wait3A_79 = tpu.memref_squeeze %dma_wait3A_78 : memref<1x1x10000xi32, #tpu.memory_space<hbm>> -> memref<10000xi32, #tpu.memory_space<hbm>>
      tpu.wait_dma2 semaphore(%run_scoped3A_67 : memref<!tpu.dma_semaphore, #tpu.memory_space<semaphore_mem>>) src(%dma_wait3A_79 : memref<10000xi32, #tpu.memory_space<hbm>>) dst(%arg6 : memref<10000xi32, #tpu.memory_space<vmem>>)
      tpu.yield
    }) : () -> ()
    "tpu.region"() ({
      %run_scoped3A_67 = tpu.sem_alloc : memref<!tpu.dma_semaphore, #tpu.memory_space<semaphore_mem>>
      %dma_start3A_68 = arith.constant 0 : i32
      %dma_start3A_69 = arith.constant 0 : i32
      %dma_start3A_70 = tpu.memref_slice %arg4[%arg0, %arg1, %dma_start3A_68, %dma_start3A_69] : memref<2x16x125x80xi32, #tpu.memory_space<hbm>> -> memref<1x1x125x80xi32, #tpu.memory_space<hbm>>
      %dma_start3A_71 = tpu.memref_squeeze %dma_start3A_70 : memref<1x1x125x80xi32, #tpu.memory_space<hbm>> -> memref<125x80xi32, #tpu.memory_space<hbm>>
      %dma_start3A_72 = arith.constant 0 : i32
      %dma_start3A_73 = arith.constant 0 : i32
      %dma_start3A_74 = tpu.memref_slice %arg4[%arg0, %arg1, %dma_start3A_72, %dma_start3A_73] : memref<2x16x125x80xi32, #tpu.memory_space<hbm>> -> memref<1x1x125x80xi32, #tpu.memory_space<hbm>>
      %dma_start3A_75 = tpu.memref_squeeze %dma_start3A_74 : memref<1x1x125x80xi32, #tpu.memory_space<hbm>> -> memref<125x80xi32, #tpu.memory_space<hbm>>
      tpu.enqueue_dma source(%dma_start3A_75 : memref<125x80xi32, #tpu.memory_space<hbm>>) target(%arg7 : memref<125x80xi32, #tpu.memory_space<vmem>>) target_semaphore(%run_scoped3A_67 : memref<!tpu.dma_semaphore, #tpu.memory_space<semaphore_mem>>)
      %dma_wait3A_76 = arith.constant 0 : i32
      %dma_wait3A_77 = arith.constant 0 : i32
      %dma_wait3A_78 = tpu.memref_slice %arg4[%arg0, %arg1, %dma_wait3A_76, %dma_wait3A_77] : memref<2x16x125x80xi32, #tpu.memory_space<hbm>> -> memref<1x1x125x80xi32, #tpu.memory_space<hbm>>
      %dma_wait3A_79 = tpu.memref_squeeze %dma_wait3A_78 : memref<1x1x125x80xi32, #tpu.memory_space<hbm>> -> memref<125x80xi32, #tpu.memory_space<hbm>>
      %dma_wait3A_80 = arith.constant 0 : i32
      %dma_wait3A_81 = arith.constant 0 : i32
      %dma_wait3A_82 = tpu.memref_slice %arg4[%arg0, %arg1, %dma_wait3A_80, %dma_wait3A_81] : memref<2x16x125x80xi32, #tpu.memory_space<hbm>> -> memref<1x1x125x80xi32, #tpu.memory_space<hbm>>
      %dma_wait3A_83 = tpu.memref_squeeze %dma_wait3A_82 : memref<1x1x125x80xi32, #tpu.memory_space<hbm>> -> memref<125x80xi32, #tpu.memory_space<hbm>>
      tpu.wait_dma2 semaphore(%run_scoped3A_67 : memref<!tpu.dma_semaphore, #tpu.memory_space<semaphore_mem>>) src(%dma_wait3A_83 : memref<125x80xi32, #tpu.memory_space<hbm>>) dst(%arg7 : memref<125x80xi32, #tpu.memory_space<vmem>>)
      tpu.yield
    }) : () -> ()
    %dma_start3A = arith.constant 0 : i32
    %dma_start3A_0 = arith.constant 0 : i32
    %dma_start3A_1 = tpu.memref_slice %arg8[%dma_start3A, %dma_start3A_0] : memref<80x128xf32, #tpu.memory_space<vmem>> -> memref<40x128xf32, #tpu.memory_space<vmem>>
    %dma_start3A_2 = arith.constant 0 : i32
    %dma_start3A_3 = tpu.memref_slice %arg6[%dma_start3A_2] : memref<10000xi32, #tpu.memory_space<vmem>> -> memref<40xi32, #tpu.memory_space<vmem>>
    %dma_start3A_4 = arith.constant 0 : i32
    %dma_start3A_5 = arith.constant 0 : i32
    %dma_start3A_6 = tpu.memref_slice %arg2[%dma_start3A_4, %dma_start3A_5] : memref<10240x128xf32, #tpu.memory_space<hbm>> -> memref<10240x128xf32, #tpu.memory_space<hbm>>
    tpu.enqueue_indirect_dma source(%dma_start3A_6 : memref<10240x128xf32, #tpu.memory_space<hbm>>) target(%dma_start3A_1 : memref<40x128xf32, #tpu.memory_space<vmem>>) offsets(%dma_start3A_3 : memref<40xi32, #tpu.memory_space<vmem>>) semaphore(%arg11 : memref<!tpu.dma_semaphore, #tpu.memory_space<semaphore_mem>>)
    %dma_start3A_7 = arith.constant 40 : i32
    %dma_start3A_8 = arith.constant 0 : i32
    %dma_start3A_9 = tpu.memref_slice %arg8[%dma_start3A_7, %dma_start3A_8] : memref<80x128xf32, #tpu.memory_space<vmem>> -> memref<40x128xf32, #tpu.memory_space<vmem>>
    %dma_start3A_10 = arith.constant 40 : i32
    %dma_start3A_11 = tpu.memref_slice %arg6[%dma_start3A_10] : memref<10000xi32, #tpu.memory_space<vmem>> -> memref<40xi32, #tpu.memory_space<vmem>>
    %dma_start3A_12 = arith.constant 0 : i32
    %dma_start3A_13 = arith.constant 0 : i32
    %dma_start3A_14 = tpu.memref_slice %arg2[%dma_start3A_12, %dma_start3A_13] : memref<10240x128xf32, #tpu.memory_space<hbm>> -> memref<10240x128xf32, #tpu.memory_space<hbm>>
    tpu.enqueue_indirect_dma source(%dma_start3A_14 : memref<10240x128xf32, #tpu.memory_space<hbm>>) target(%dma_start3A_9 : memref<40x128xf32, #tpu.memory_space<vmem>>) offsets(%dma_start3A_11 : memref<40xi32, #tpu.memory_space<vmem>>) semaphore(%arg12 : memref<!tpu.dma_semaphore, #tpu.memory_space<semaphore_mem>>)
    %broadcast_in_dim3A = arith.constant 0.000000e+00 : f32
    %broadcast_in_dim3A_15 = vector.broadcast %broadcast_in_dim3A : f32 to vector<16xf32>
    %scan3A = arith.constant 0 : i32
    %scan3A_16 = arith.constant 0 : i32
    %scan3A_17 = arith.constant 80 : i32
    %scan3A_18 = arith.addi %scan3A_16, %scan3A_17 : i32
    %scan3A_19 = arith.constant 1 : i32
    scf.for %scan3A_67 = %scan3A_16 to %scan3A_18 step %scan3A_19  : i32 {
      %swap3A = arith.index_cast %scan3A_67 : i32 to index
      %swap3A_68 = arith.constant 0 : index
      %swap3A_69 = tpu.vector_load %arg9[%swap3A, %swap3A_68] {strides = array<i32>} : memref<80x128xf32, #tpu.memory_space<vmem>>, vector<1x16xf32>,
      %swap3A_70 = vector.shape_cast %swap3A_69 : vector<1x16xf32> to vector<16xf32>
      %swap3A_71 = vector.shape_cast %broadcast_in_dim3A_15 : vector<16xf32> to vector<1x16xf32>
      tpu.vector_store %arg9[%swap3A, %swap3A_68], %swap3A_71 {strides = array<i32>} : memref<80x128xf32, #tpu.memory_space<vmem>>, vector<1x16xf32>,
      %swap3A_72 = arith.index_cast %scan3A_67 : i32 to index
      %swap3A_73 = arith.constant 16 : index
      %swap3A_74 = tpu.vector_load %arg9[%swap3A_72, %swap3A_73] {strides = array<i32>} : memref<80x128xf32, #tpu.memory_space<vmem>>, vector<1x16xf32>,
      %swap3A_75 = vector.shape_cast %swap3A_74 : vector<1x16xf32> to vector<16xf32>
      %swap3A_76 = vector.shape_cast %broadcast_in_dim3A_15 : vector<16xf32> to vector<1x16xf32>
      tpu.vector_store %arg9[%swap3A_72, %swap3A_73], %swap3A_76 {strides = array<i32>} : memref<80x128xf32, #tpu.memory_space<vmem>>, vector<1x16xf32>,
      %swap3A_77 = arith.index_cast %scan3A_67 : i32 to index
      %swap3A_78 = arith.constant 32 : index
      %swap3A_79 = tpu.vector_load %arg9[%swap3A_77, %swap3A_78] {strides = array<i32>} : memref<80x128xf32, #tpu.memory_space<vmem>>, vector<1x16xf32>,
      %swap3A_80 = vector.shape_cast %swap3A_79 : vector<1x16xf32> to vector<16xf32>
      %swap3A_81 = vector.shape_cast %broadcast_in_dim3A_15 : vector<16xf32> to vector<1x16xf32>
      tpu.vector_store %arg9[%swap3A_77, %swap3A_78], %swap3A_81 {strides = array<i32>} : memref<80x128xf32, #tpu.memory_space<vmem>>, vector<1x16xf32>,
      %swap3A_82 = arith.index_cast %scan3A_67 : i32 to index
      %swap3A_83 = arith.constant 48 : index
      %swap3A_84 = tpu.vector_load %arg9[%swap3A_82, %swap3A_83] {strides = array<i32>} : memref<80x128xf32, #tpu.memory_space<vmem>>, vector<1x16xf32>,
      %swap3A_85 = vector.shape_cast %swap3A_84 : vector<1x16xf32> to vector<16xf32>
      %swap3A_86 = vector.shape_cast %broadcast_in_dim3A_15 : vector<16xf32> to vector<1x16xf32>
      tpu.vector_store %arg9[%swap3A_82, %swap3A_83], %swap3A_86 {strides = array<i32>} : memref<80x128xf32, #tpu.memory_space<vmem>>, vector<1x16xf32>,
      %swap3A_87 = arith.index_cast %scan3A_67 : i32 to index
      %swap3A_88 = arith.constant 64 : index
      %swap3A_89 = tpu.vector_load %arg9[%swap3A_87, %swap3A_88] {strides = array<i32>} : memref<80x128xf32, #tpu.memory_space<vmem>>, vector<1x16xf32>,
      %swap3A_90 = vector.shape_cast %swap3A_89 : vector<1x16xf32> to vector<16xf32>
      %swap3A_91 = vector.shape_cast %broadcast_in_dim3A_15 : vector<16xf32> to vector<1x16xf32>
      tpu.vector_store %arg9[%swap3A_87, %swap3A_88], %swap3A_91 {strides = array<i32>} : memref<80x128xf32, #tpu.memory_space<vmem>>, vector<1x16xf32>,
      %swap3A_92 = arith.index_cast %scan3A_67 : i32 to index
      %swap3A_93 = arith.constant 80 : index
      %swap3A_94 = tpu.vector_load %arg9[%swap3A_92, %swap3A_93] {strides = array<i32>} : memref<80x128xf32, #tpu.memory_space<vmem>>, vector<1x16xf32>,
      %swap3A_95 = vector.shape_cast %swap3A_94 : vector<1x16xf32> to vector<16xf32>
      %swap3A_96 = vector.shape_cast %broadcast_in_dim3A_15 : vector<16xf32> to vector<1x16xf32>
      tpu.vector_store %arg9[%swap3A_92, %swap3A_93], %swap3A_96 {strides = array<i32>} : memref<80x128xf32, #tpu.memory_space<vmem>>, vector<1x16xf32>,
      %swap3A_97 = arith.index_cast %scan3A_67 : i32 to index
      %swap3A_98 = arith.constant 96 : index
      %swap3A_99 = tpu.vector_load %arg9[%swap3A_97, %swap3A_98] {strides = array<i32>} : memref<80x128xf32, #tpu.memory_space<vmem>>, vector<1x16xf32>,
      %swap3A_100 = vector.shape_cast %swap3A_99 : vector<1x16xf32> to vector<16xf32>
      %swap3A_101 = vector.shape_cast %broadcast_in_dim3A_15 : vector<16xf32> to vector<1x16xf32>
      tpu.vector_store %arg9[%swap3A_97, %swap3A_98], %swap3A_101 {strides = array<i32>} : memref<80x128xf32, #tpu.memory_space<vmem>>, vector<1x16xf32>,
      %swap3A_102 = arith.index_cast %scan3A_67 : i32 to index
      %swap3A_103 = arith.constant 112 : index
      %swap3A_104 = tpu.vector_load %arg9[%swap3A_102, %swap3A_103] {strides = array<i32>} : memref<80x128xf32, #tpu.memory_space<vmem>>, vector<1x16xf32>,
      %swap3A_105 = vector.shape_cast %swap3A_104 : vector<1x16xf32> to vector<16xf32>
      %swap3A_106 = vector.shape_cast %broadcast_in_dim3A_15 : vector<16xf32> to vector<1x16xf32>
      tpu.vector_store %arg9[%swap3A_102, %swap3A_103], %swap3A_106 {strides = array<i32>} : memref<80x128xf32, #tpu.memory_space<vmem>>, vector<1x16xf32>,
    }
    %scan3A_20 = arith.constant 80 : i32
    %mul3A = arith.constant 640 : i32
    %mul3A_21 = arith.muli %arg1, %mul3A : i32
    %add3A = arith.constant 0 : i32
    %add3A_22 = arith.addi %mul3A_21, %add3A : i32
    "tpu.region"() ({
      %run_scoped3A_67 = tpu.sem_alloc : memref<!tpu.dma_semaphore, #tpu.memory_space<semaphore_mem>>
      %dma_start3A_68 = arith.constant 0 : i32
      %dma_start3A_69 = tpu.memref_slice %arg10[%add3A_22, %dma_start3A_68] : memref<10240x128xf32, #tpu.memory_space<vmem_shared>> -> memref<80x128xf32, #tpu.memory_space<vmem_shared>>
      %dma_start3A_70 = arith.constant 0 : i32
      %dma_start3A_71 = tpu.memref_slice %arg10[%add3A_22, %dma_start3A_70] : memref<10240x128xf32, #tpu.memory_space<vmem_shared>> -> memref<80x128xf32, #tpu.memory_space<vmem_shared>>
      tpu.enqueue_dma source(%arg9 : memref<80x128xf32, #tpu.memory_space<vmem>>) target(%dma_start3A_71 : memref<80x128xf32, #tpu.memory_space<vmem_shared>>) target_semaphore(%run_scoped3A_67 : memref<!tpu.dma_semaphore, #tpu.memory_space<semaphore_mem>>)
      %dma_wait3A_72 = arith.constant 0 : i32
      %dma_wait3A_73 = tpu.memref_slice %arg10[%add3A_22, %dma_wait3A_72] : memref<10240x128xf32, #tpu.memory_space<vmem_shared>> -> memref<80x128xf32, #tpu.memory_space<vmem_shared>>
      %dma_wait3A_74 = arith.constant 0 : i32
      %dma_wait3A_75 = tpu.memref_slice %arg10[%add3A_22, %dma_wait3A_74] : memref<10240x128xf32, #tpu.memory_space<vmem_shared>> -> memref<80x128xf32, #tpu.memory_space<vmem_shared>>
      tpu.wait_dma2 semaphore(%run_scoped3A_67 : memref<!tpu.dma_semaphore, #tpu.memory_space<semaphore_mem>>) src(%arg9 : memref<80x128xf32, #tpu.memory_space<vmem>>) dst(%dma_wait3A_75 : memref<80x128xf32, #tpu.memory_space<vmem_shared>>)
      tpu.yield
    }) : () -> ()
    %add3A_23 = arith.constant 80 : i32
    %add3A_24 = arith.addi %mul3A_21, %add3A_23 : i32
    "tpu.region"() ({
      %run_scoped3A_67 = tpu.sem_alloc : memref<!tpu.dma_semaphore, #tpu.memory_space<semaphore_mem>>
      %dma_start3A_68 = arith.constant 0 : i32
      %dma_start3A_69 = tpu.memref_slice %arg10[%add3A_24, %dma_start3A_68] : memref<10240x128xf32, #tpu.memory_space<vmem_shared>> -> memref<80x128xf32, #tpu.memory_space<vmem_shared>>
      %dma_start3A_70 = arith.constant 0 : i32
      %dma_start3A_71 = tpu.memref_slice %arg10[%add3A_24, %dma_start3A_70] : memref<10240x128xf32, #tpu.memory_space<vmem_shared>> -> memref<80x128xf32, #tpu.memory_space<vmem_shared>>
      tpu.enqueue_dma source(%arg9 : memref<80x128xf32, #tpu.memory_space<vmem>>) target(%dma_start3A_71 : memref<80x128xf32, #tpu.memory_space<vmem_shared>>) target_semaphore(%run_scoped3A_67 : memref<!tpu.dma_semaphore, #tpu.memory_space<semaphore_mem>>)
      %dma_wait3A_72 = arith.constant 0 : i32
      %dma_wait3A_73 = tpu.memref_slice %arg10[%add3A_24, %dma_wait3A_72] : memref<10240x128xf32, #tpu.memory_space<vmem_shared>> -> memref<80x128xf32, #tpu.memory_space<vmem_shared>>
      %dma_wait3A_74 = arith.constant 0 : i32
      %dma_wait3A_75 = tpu.memref_slice %arg10[%add3A_24, %dma_wait3A_74] : memref<10240x128xf32, #tpu.memory_space<vmem_shared>> -> memref<80x128xf32, #tpu.memory_space<vmem_shared>>
      tpu.wait_dma2 semaphore(%run_scoped3A_67 : memref<!tpu.dma_semaphore, #tpu.memory_space<semaphore_mem>>) src(%arg9 : memref<80x128xf32, #tpu.memory_space<vmem>>) dst(%dma_wait3A_75 : memref<80x128xf32, #tpu.memory_space<vmem_shared>>)
      tpu.yield
    }) : () -> ()
    %add3A_25 = arith.constant 160 : i32
    %add3A_26 = arith.addi %mul3A_21, %add3A_25 : i32
    "tpu.region"() ({
      %run_scoped3A_67 = tpu.sem_alloc : memref<!tpu.dma_semaphore, #tpu.memory_space<semaphore_mem>>
      %dma_start3A_68 = arith.constant 0 : i32
      %dma_start3A_69 = tpu.memref_slice %arg10[%add3A_26, %dma_start3A_68] : memref<10240x128xf32, #tpu.memory_space<vmem_shared>> -> memref<80x128xf32, #tpu.memory_space<vmem_shared>>
      %dma_start3A_70 = arith.constant 0 : i32
      %dma_start3A_71 = tpu.memref_slice %arg10[%add3A_26, %dma_start3A_70] : memref<10240x128xf32, #tpu.memory_space<vmem_shared>> -> memref<80x128xf32, #tpu.memory_space<vmem_shared>>
      tpu.enqueue_dma source(%arg9 : memref<80x128xf32, #tpu.memory_space<vmem>>) target(%dma_start3A_71 : memref<80x128xf32, #tpu.memory_space<vmem_shared>>) target_semaphore(%run_scoped3A_67 : memref<!tpu.dma_semaphore, #tpu.memory_space<semaphore_mem>>)
      %dma_wait3A_72 = arith.constant 0 : i32
      %dma_wait3A_73 = tpu.memref_slice %arg10[%add3A_26, %dma_wait3A_72] : memref<10240x128xf32, #tpu.memory_space<vmem_shared>> -> memref<80x128xf32, #tpu.memory_space<vmem_shared>>
      %dma_wait3A_74 = arith.constant 0 : i32
      %dma_wait3A_75 = tpu.memref_slice %arg10[%add3A_26, %dma_wait3A_74] : memref<10240x128xf32, #tpu.memory_space<vmem_shared>> -> memref<80x128xf32, #tpu.memory_space<vmem_shared>>
      tpu.wait_dma2 semaphore(%run_scoped3A_67 : memref<!tpu.dma_semaphore, #tpu.memory_space<semaphore_mem>>) src(%arg9 : memref<80x128xf32, #tpu.memory_space<vmem>>) dst(%dma_wait3A_75 : memref<80x128xf32, #tpu.memory_space<vmem_shared>>)
      tpu.yield
    }) : () -> ()
    %add3A_27 = arith.constant 240 : i32
    %add3A_28 = arith.addi %mul3A_21, %add3A_27 : i32
    "tpu.region"() ({
      %run_scoped3A_67 = tpu.sem_alloc : memref<!tpu.dma_semaphore, #tpu.memory_space<semaphore_mem>>
      %dma_start3A_68 = arith.constant 0 : i32
      %dma_start3A_69 = tpu.memref_slice %arg10[%add3A_28, %dma_start3A_68] : memref<10240x128xf32, #tpu.memory_space<vmem_shared>> -> memref<80x128xf32, #tpu.memory_space<vmem_shared>>
      %dma_start3A_70 = arith.constant 0 : i32
      %dma_start3A_71 = tpu.memref_slice %arg10[%add3A_28, %dma_start3A_70] : memref<10240x128xf32, #tpu.memory_space<vmem_shared>> -> memref<80x128xf32, #tpu.memory_space<vmem_shared>>
      tpu.enqueue_dma source(%arg9 : memref<80x128xf32, #tpu.memory_space<vmem>>) target(%dma_start3A_71 : memref<80x128xf32, #tpu.memory_space<vmem_shared>>) target_semaphore(%run_scoped3A_67 : memref<!tpu.dma_semaphore, #tpu.memory_space<semaphore_mem>>)
      %dma_wait3A_72 = arith.constant 0 : i32
      %dma_wait3A_73 = tpu.memref_slice %arg10[%add3A_28, %dma_wait3A_72] : memref<10240x128xf32, #tpu.memory_space<vmem_shared>> -> memref<80x128xf32, #tpu.memory_space<vmem_shared>>
      %dma_wait3A_74 = arith.constant 0 : i32
      %dma_wait3A_75 = tpu.memref_slice %arg10[%add3A_28, %dma_wait3A_74] : memref<10240x128xf32, #tpu.memory_space<vmem_shared>> -> memref<80x128xf32, #tpu.memory_space<vmem_shared>>
      tpu.wait_dma2 semaphore(%run_scoped3A_67 : memref<!tpu.dma_semaphore, #tpu.memory_space<semaphore_mem>>) src(%arg9 : memref<80x128xf32, #tpu.memory_space<vmem>>) dst(%dma_wait3A_75 : memref<80x128xf32, #tpu.memory_space<vmem_shared>>)
      tpu.yield
    }) : () -> ()
    %add3A_29 = arith.constant 320 : i32
    %add3A_30 = arith.addi %mul3A_21, %add3A_29 : i32
    "tpu.region"() ({
      %run_scoped3A_67 = tpu.sem_alloc : memref<!tpu.dma_semaphore, #tpu.memory_space<semaphore_mem>>
      %dma_start3A_68 = arith.constant 0 : i32
      %dma_start3A_69 = tpu.memref_slice %arg10[%add3A_30, %dma_start3A_68] : memref<10240x128xf32, #tpu.memory_space<vmem_shared>> -> memref<80x128xf32, #tpu.memory_space<vmem_shared>>
      %dma_start3A_70 = arith.constant 0 : i32
      %dma_start3A_71 = tpu.memref_slice %arg10[%add3A_30, %dma_start3A_70] : memref<10240x128xf32, #tpu.memory_space<vmem_shared>> -> memref<80x128xf32, #tpu.memory_space<vmem_shared>>
      tpu.enqueue_dma source(%arg9 : memref<80x128xf32, #tpu.memory_space<vmem>>) target(%dma_start3A_71 : memref<80x128xf32, #tpu.memory_space<vmem_shared>>) target_semaphore(%run_scoped3A_67 : memref<!tpu.dma_semaphore, #tpu.memory_space<semaphore_mem>>)
      %dma_wait3A_72 = arith.constant 0 : i32
      %dma_wait3A_73 = tpu.memref_slice %arg10[%add3A_30, %dma_wait3A_72] : memref<10240x128xf32, #tpu.memory_space<vmem_shared>> -> memref<80x128xf32, #tpu.memory_space<vmem_shared>>
      %dma_wait3A_74 = arith.constant 0 : i32
      %dma_wait3A_75 = tpu.memref_slice %arg10[%add3A_30, %dma_wait3A_74] : memref<10240x128xf32, #tpu.memory_space<vmem_shared>> -> memref<80x128xf32, #tpu.memory_space<vmem_shared>>
      tpu.wait_dma2 semaphore(%run_scoped3A_67 : memref<!tpu.dma_semaphore, #tpu.memory_space<semaphore_mem>>) src(%arg9 : memref<80x128xf32, #tpu.memory_space<vmem>>) dst(%dma_wait3A_75 : memref<80x128xf32, #tpu.memory_space<vmem_shared>>)
      tpu.yield
    }) : () -> ()
    %add3A_31 = arith.constant 400 : i32
    %add3A_32 = arith.addi %mul3A_21, %add3A_31 : i32
    "tpu.region"() ({
      %run_scoped3A_67 = tpu.sem_alloc : memref<!tpu.dma_semaphore, #tpu.memory_space<semaphore_mem>>
      %dma_start3A_68 = arith.constant 0 : i32
      %dma_start3A_69 = tpu.memref_slice %arg10[%add3A_32, %dma_start3A_68] : memref<10240x128xf32, #tpu.memory_space<vmem_shared>> -> memref<80x128xf32, #tpu.memory_space<vmem_shared>>
      %dma_start3A_70 = arith.constant 0 : i32
      %dma_start3A_71 = tpu.memref_slice %arg10[%add3A_32, %dma_start3A_70] : memref<10240x128xf32, #tpu.memory_space<vmem_shared>> -> memref<80x128xf32, #tpu.memory_space<vmem_shared>>
      tpu.enqueue_dma source(%arg9 : memref<80x128xf32, #tpu.memory_space<vmem>>) target(%dma_start3A_71 : memref<80x128xf32, #tpu.memory_space<vmem_shared>>) target_semaphore(%run_scoped3A_67 : memref<!tpu.dma_semaphore, #tpu.memory_space<semaphore_mem>>)
      %dma_wait3A_72 = arith.constant 0 : i32
      %dma_wait3A_73 = tpu.memref_slice %arg10[%add3A_32, %dma_wait3A_72] : memref<10240x128xf32, #tpu.memory_space<vmem_shared>> -> memref<80x128xf32, #tpu.memory_space<vmem_shared>>
      %dma_wait3A_74 = arith.constant 0 : i32
      %dma_wait3A_75 = tpu.memref_slice %arg10[%add3A_32, %dma_wait3A_74] : memref<10240x128xf32, #tpu.memory_space<vmem_shared>> -> memref<80x128xf32, #tpu.memory_space<vmem_shared>>
      tpu.wait_dma2 semaphore(%run_scoped3A_67 : memref<!tpu.dma_semaphore, #tpu.memory_space<semaphore_mem>>) src(%arg9 : memref<80x128xf32, #tpu.memory_space<vmem>>) dst(%dma_wait3A_75 : memref<80x128xf32, #tpu.memory_space<vmem_shared>>)
      tpu.yield
    }) : () -> ()
    %add3A_33 = arith.constant 480 : i32
    %add3A_34 = arith.addi %mul3A_21, %add3A_33 : i32
    "tpu.region"() ({
      %run_scoped3A_67 = tpu.sem_alloc : memref<!tpu.dma_semaphore, #tpu.memory_space<semaphore_mem>>
      %dma_start3A_68 = arith.constant 0 : i32
      %dma_start3A_69 = tpu.memref_slice %arg10[%add3A_34, %dma_start3A_68] : memref<10240x128xf32, #tpu.memory_space<vmem_shared>> -> memref<80x128xf32, #tpu.memory_space<vmem_shared>>
      %dma_start3A_70 = arith.constant 0 : i32
      %dma_start3A_71 = tpu.memref_slice %arg10[%add3A_34, %dma_start3A_70] : memref<10240x128xf32, #tpu.memory_space<vmem_shared>> -> memref<80x128xf32, #tpu.memory_space<vmem_shared>>
      tpu.enqueue_dma source(%arg9 : memref<80x128xf32, #tpu.memory_space<vmem>>) target(%dma_start3A_71 : memref<80x128xf32, #tpu.memory_space<vmem_shared>>) target_semaphore(%run_scoped3A_67 : memref<!tpu.dma_semaphore, #tpu.memory_space<semaphore_mem>>)
      %dma_wait3A_72 = arith.constant 0 : i32
      %dma_wait3A_73 = tpu.memref_slice %arg10[%add3A_34, %dma_wait3A_72] : memref<10240x128xf32, #tpu.memory_space<vmem_shared>> -> memref<80x128xf32, #tpu.memory_space<vmem_shared>>
      %dma_wait3A_74 = arith.constant 0 : i32
      %dma_wait3A_75 = tpu.memref_slice %arg10[%add3A_34, %dma_wait3A_74] : memref<10240x128xf32, #tpu.memory_space<vmem_shared>> -> memref<80x128xf32, #tpu.memory_space<vmem_shared>>
      tpu.wait_dma2 semaphore(%run_scoped3A_67 : memref<!tpu.dma_semaphore, #tpu.memory_space<semaphore_mem>>) src(%arg9 : memref<80x128xf32, #tpu.memory_space<vmem>>) dst(%dma_wait3A_75 : memref<80x128xf32, #tpu.memory_space<vmem_shared>>)
      tpu.yield
    }) : () -> ()
    %add3A_35 = arith.constant 560 : i32
    %add3A_36 = arith.addi %mul3A_21, %add3A_35 : i32
    "tpu.region"() ({
      %run_scoped3A_67 = tpu.sem_alloc : memref<!tpu.dma_semaphore, #tpu.memory_space<semaphore_mem>>
      %dma_start3A_68 = arith.constant 0 : i32
      %dma_start3A_69 = tpu.memref_slice %arg10[%add3A_36, %dma_start3A_68] : memref<10240x128xf32, #tpu.memory_space<vmem_shared>> -> memref<80x128xf32, #tpu.memory_space<vmem_shared>>
      %dma_start3A_70 = arith.constant 0 : i32
      %dma_start3A_71 = tpu.memref_slice %arg10[%add3A_36, %dma_start3A_70] : memref<10240x128xf32, #tpu.memory_space<vmem_shared>> -> memref<80x128xf32, #tpu.memory_space<vmem_shared>>
      tpu.enqueue_dma source(%arg9 : memref<80x128xf32, #tpu.memory_space<vmem>>) target(%dma_start3A_71 : memref<80x128xf32, #tpu.memory_space<vmem_shared>>) target_semaphore(%run_scoped3A_67 : memref<!tpu.dma_semaphore, #tpu.memory_space<semaphore_mem>>)
      %dma_wait3A_72 = arith.constant 0 : i32
      %dma_wait3A_73 = tpu.memref_slice %arg10[%add3A_36, %dma_wait3A_72] : memref<10240x128xf32, #tpu.memory_space<vmem_shared>> -> memref<80x128xf32, #tpu.memory_space<vmem_shared>>
      %dma_wait3A_74 = arith.constant 0 : i32
      %dma_wait3A_75 = tpu.memref_slice %arg10[%add3A_36, %dma_wait3A_74] : memref<10240x128xf32, #tpu.memory_space<vmem_shared>> -> memref<80x128xf32, #tpu.memory_space<vmem_shared>>
      tpu.wait_dma2 semaphore(%run_scoped3A_67 : memref<!tpu.dma_semaphore, #tpu.memory_space<semaphore_mem>>) src(%arg9 : memref<80x128xf32, #tpu.memory_space<vmem>>) dst(%dma_wait3A_75 : memref<80x128xf32, #tpu.memory_space<vmem_shared>>)
      tpu.yield
    }) : () -> ()
    %barrier3A = arith.constant 0 : index
    tpu.barrier barrier_id(%barrier3A)
    %scan3A_37 = arith.constant 0 : i32
    %scan3A_38 = arith.constant 0 : i32
    %scan3A_39 = arith.constant 62 : i32
    %scan3A_40 = arith.addi %scan3A_38, %scan3A_39 : i32
    %scan3A_41 = arith.constant 1 : i32
    scf.for %scan3A_67 = %scan3A_38 to %scan3A_40 step %scan3A_41  : i32 {
      %mul3A_68 = arith.constant 2 : i32
      %mul3A_69 = arith.muli %mul3A_68, %scan3A_67 : i32
      %dma_wait3A_70 = arith.constant 0 : i32
      %dma_wait3A_71 = arith.constant 0 : i32
      %dma_wait3A_72 = tpu.memref_slice %arg8[%dma_wait3A_70, %dma_wait3A_71] : memref<80x128xf32, #tpu.memory_space<vmem>> -> memref<40x128xf32, #tpu.memory_space<vmem>>
      %dma_wait3A_73 = arith.constant 0 : i32
      %dma_wait3A_74 = arith.constant 0 : i32
      %dma_wait3A_75 = tpu.memref_slice %arg2[%dma_wait3A_73, %dma_wait3A_74] : memref<10240x128xf32, #tpu.memory_space<hbm>> -> memref<40x128xf32, #tpu.memory_space<hbm>>
      %dma_wait3A_76 = arith.constant 0 : i32
      %dma_wait3A_77 = arith.constant 0 : i32
      %dma_wait3A_78 = tpu.memref_slice %arg8[%dma_wait3A_76, %dma_wait3A_77] : memref<80x128xf32, #tpu.memory_space<vmem>> -> memref<40x128xf32, #tpu.memory_space<vmem>>
      %dma_wait3A_79 = arith.constant 0 : i32
      %dma_wait3A_80 = arith.constant 0 : i32
      %dma_wait3A_81 = tpu.memref_slice %arg2[%dma_wait3A_79, %dma_wait3A_80] : memref<10240x128xf32, #tpu.memory_space<hbm>> -> memref<40x128xf32, #tpu.memory_space<hbm>>
      tpu.wait_dma2 semaphore(%arg11 : memref<!tpu.dma_semaphore, #tpu.memory_space<semaphore_mem>>) src(%dma_wait3A_81 : memref<40x128xf32, #tpu.memory_space<hbm>>) dst(%dma_wait3A_78 : memref<40x128xf32, #tpu.memory_space<vmem>>)
      %dma_wait3A_82 = arith.constant 40 : i32
      %dma_wait3A_83 = arith.constant 0 : i32
      %dma_wait3A_84 = tpu.memref_slice %arg8[%dma_wait3A_82, %dma_wait3A_83] : memref<80x128xf32, #tpu.memory_space<vmem>> -> memref<40x128xf32, #tpu.memory_space<vmem>>
      %dma_wait3A_85 = arith.constant 0 : i32
      %dma_wait3A_86 = arith.constant 0 : i32
      %dma_wait3A_87 = tpu.memref_slice %arg2[%dma_wait3A_85, %dma_wait3A_86] : memref<10240x128xf32, #tpu.memory_space<hbm>> -> memref<40x128xf32, #tpu.memory_space<hbm>>
      %dma_wait3A_88 = arith.constant 40 : i32
      %dma_wait3A_89 = arith.constant 0 : i32
      %dma_wait3A_90 = tpu.memref_slice %arg8[%dma_wait3A_88, %dma_wait3A_89] : memref<80x128xf32, #tpu.memory_space<vmem>> -> memref<40x128xf32, #tpu.memory_space<vmem>>
      %dma_wait3A_91 = arith.constant 0 : i32
      %dma_wait3A_92 = arith.constant 0 : i32
      %dma_wait3A_93 = tpu.memref_slice %arg2[%dma_wait3A_91, %dma_wait3A_92] : memref<10240x128xf32, #tpu.memory_space<hbm>> -> memref<40x128xf32, #tpu.memory_space<hbm>>
      tpu.wait_dma2 semaphore(%arg12 : memref<!tpu.dma_semaphore, #tpu.memory_space<semaphore_mem>>) src(%dma_wait3A_93 : memref<40x128xf32, #tpu.memory_space<hbm>>) dst(%dma_wait3A_90 : memref<40x128xf32, #tpu.memory_space<vmem>>)
      %add3A_94 = arith.constant 1 : i32
      %add3A_95 = arith.addi %mul3A_69, %add3A_94 : i32
      %mul3A_96 = arith.constant 80 : i32
      %mul3A_97 = arith.muli %add3A_95, %mul3A_96 : i32
      %dma_start3A_98 = arith.constant 0 : i32
      %dma_start3A_99 = arith.constant 0 : i32
      %dma_start3A_100 = tpu.memref_slice %arg9[%dma_start3A_98, %dma_start3A_99] : memref<80x128xf32, #tpu.memory_space<vmem>> -> memref<40x128xf32, #tpu.memory_space<vmem>>
      %dma_start3A_101 = tpu.memref_slice %arg6[%mul3A_97] : memref<10000xi32, #tpu.memory_space<vmem>> -> memref<40xi32, #tpu.memory_space<vmem>>
      %dma_start3A_102 = arith.constant 0 : i32
      %dma_start3A_103 = arith.constant 0 : i32
      %dma_start3A_104 = tpu.memref_slice %arg2[%dma_start3A_102, %dma_start3A_103] : memref<10240x128xf32, #tpu.memory_space<hbm>> -> memref<10240x128xf32, #tpu.memory_space<hbm>>
      tpu.enqueue_indirect_dma source(%dma_start3A_104 : memref<10240x128xf32, #tpu.memory_space<hbm>>) target(%dma_start3A_100 : memref<40x128xf32, #tpu.memory_space<vmem>>) offsets(%dma_start3A_101 : memref<40xi32, #tpu.memory_space<vmem>>) semaphore(%arg13 : memref<!tpu.dma_semaphore, #tpu.memory_space<semaphore_mem>>)
      %mul3A_105 = arith.constant 80 : i32
      %mul3A_106 = arith.muli %add3A_95, %mul3A_105 : i32
      %add3A_107 = arith.constant 40 : i32
      %add3A_108 = arith.addi %mul3A_106, %add3A_107 : i32
      %dma_start3A_109 = arith.constant 40 : i32
      %dma_start3A_110 = arith.constant 0 : i32
      %dma_start3A_111 = tpu.memref_slice %arg9[%dma_start3A_109, %dma_start3A_110] : memref<80x128xf32, #tpu.memory_space<vmem>> -> memref<40x128xf32, #tpu.memory_space<vmem>>
      %dma_start3A_112 = tpu.memref_slice %arg6[%add3A_108] : memref<10000xi32, #tpu.memory_space<vmem>> -> memref<40xi32, #tpu.memory_space<vmem>>
      %dma_start3A_113 = arith.constant 0 : i32
      %dma_start3A_114 = arith.constant 0 : i32
      %dma_start3A_115 = tpu.memref_slice %arg2[%dma_start3A_113, %dma_start3A_114] : memref<10240x128xf32, #tpu.memory_space<hbm>> -> memref<10240x128xf32, #tpu.memory_space<hbm>>
      tpu.enqueue_indirect_dma source(%dma_start3A_115 : memref<10240x128xf32, #tpu.memory_space<hbm>>) target(%dma_start3A_111 : memref<40x128xf32, #tpu.memory_space<vmem>>) offsets(%dma_start3A_112 : memref<40xi32, #tpu.memory_space<vmem>>) semaphore(%arg14 : memref<!tpu.dma_semaphore, #tpu.memory_space<semaphore_mem>>)
      "tpu.region"() ({
        %run_scoped3A_164 = tpu.sem_alloc : memref<!tpu.dma_semaphore, #tpu.memory_space<semaphore_mem>>
        %dma_start3A_165 = arith.constant 0 : i32
        %dma_start3A_166 = tpu.memref_slice %arg7[%mul3A_69, %dma_start3A_165] : memref<125x80xi32, #tpu.memory_space<vmem>> -> memref<1x80xi32, #tpu.memory_space<vmem>>
        %dma_start3A_167 = tpu.memref_squeeze %dma_start3A_166 : memref<1x80xi32, #tpu.memory_space<vmem>> -> memref<80xi32, #tpu.memory_space<vmem>>
        %dma_start3A_168 = arith.constant 0 : i32
        %dma_start3A_169 = arith.constant 0 : i32
        %dma_start3A_170 = tpu.memref_slice %arg10[%dma_start3A_168, %dma_start3A_169] : memref<10240x128xf32, #tpu.memory_space<vmem_shared>> -> memref<10240x128xf32, #tpu.memory_space<vmem_shared>>
        tpu.enqueue_indirect_dma source(%arg8 : memref<80x128xf32, #tpu.memory_space<vmem>>) target(%dma_start3A_170 : memref<10240x128xf32, #tpu.memory_space<vmem_shared>>) offsets(%dma_start3A_167 : memref<80xi32, #tpu.memory_space<vmem>>) semaphore(%run_scoped3A_164 : memref<!tpu.dma_semaphore, #tpu.memory_space<semaphore_mem>>) {add = true}
        %dma_wait3A_171 = arith.constant 0 : i32
        %dma_wait3A_172 = tpu.memref_slice %arg7[%mul3A_69, %dma_wait3A_171] : memref<125x80xi32, #tpu.memory_space<vmem>> -> memref<1x80xi32, #tpu.memory_space<vmem>>
        %dma_wait3A_173 = tpu.memref_squeeze %dma_wait3A_172 : memref<1x80xi32, #tpu.memory_space<vmem>> -> memref<80xi32, #tpu.memory_space<vmem>>
        %dma_wait3A_174 = arith.constant 0 : i32
        %dma_wait3A_175 = arith.constant 0 : i32
        %dma_wait3A_176 = tpu.memref_slice %arg10[%dma_wait3A_174, %dma_wait3A_175] : memref<10240x128xf32, #tpu.memory_space<vmem_shared>> -> memref<10240x128xf32, #tpu.memory_space<vmem_shared>>
        tpu.wait_indirect_dma semaphore(%run_scoped3A_164 : memref<!tpu.dma_semaphore, #tpu.memory_space<semaphore_mem>>) src(%arg8 : memref<80x128xf32, #tpu.memory_space<vmem>>) dst(%dma_wait3A_176 : memref<10240x128xf32, #tpu.memory_space<vmem_shared>>)
        tpu.yield
      }) : () -> ()
      %dma_wait3A_116 = arith.constant 0 : i32
      %dma_wait3A_117 = arith.constant 0 : i32
      %dma_wait3A_118 = tpu.memref_slice %arg9[%dma_wait3A_116, %dma_wait3A_117] : memref<80x128xf32, #tpu.memory_space<vmem>> -> memref<40x128xf32, #tpu.memory_space<vmem>>
      %dma_wait3A_119 = arith.constant 0 : i32
      %dma_wait3A_120 = arith.constant 0 : i32
      %dma_wait3A_121 = tpu.memref_slice %arg2[%dma_wait3A_119, %dma_wait3A_120] : memref<10240x128xf32, #tpu.memory_space<hbm>> -> memref<40x128xf32, #tpu.memory_space<hbm>>
      %dma_wait3A_122 = arith.constant 0 : i32
      %dma_wait3A_123 = arith.constant 0 : i32
      %dma_wait3A_124 = tpu.memref_slice %arg9[%dma_wait3A_122, %dma_wait3A_123] : memref<80x128xf32, #tpu.memory_space<vmem>> -> memref<40x128xf32, #tpu.memory_space<vmem>>
      %dma_wait3A_125 = arith.constant 0 : i32
      %dma_wait3A_126 = arith.constant 0 : i32
      %dma_wait3A_127 = tpu.memref_slice %arg2[%dma_wait3A_125, %dma_wait3A_126] : memref<10240x128xf32, #tpu.memory_space<hbm>> -> memref<40x128xf32, #tpu.memory_space<hbm>>
      tpu.wait_dma2 semaphore(%arg13 : memref<!tpu.dma_semaphore, #tpu.memory_space<semaphore_mem>>) src(%dma_wait3A_127 : memref<40x128xf32, #tpu.memory_space<hbm>>) dst(%dma_wait3A_124 : memref<40x128xf32, #tpu.memory_space<vmem>>)
      %dma_wait3A_128 = arith.constant 40 : i32
      %dma_wait3A_129 = arith.constant 0 : i32
      %dma_wait3A_130 = tpu.memref_slice %arg9[%dma_wait3A_128, %dma_wait3A_129] : memref<80x128xf32, #tpu.memory_space<vmem>> -> memref<40x128xf32, #tpu.memory_space<vmem>>
      %dma_wait3A_131 = arith.constant 0 : i32
      %dma_wait3A_132 = arith.constant 0 : i32
      %dma_wait3A_133 = tpu.memref_slice %arg2[%dma_wait3A_131, %dma_wait3A_132] : memref<10240x128xf32, #tpu.memory_space<hbm>> -> memref<40x128xf32, #tpu.memory_space<hbm>>
      %dma_wait3A_134 = arith.constant 40 : i32
      %dma_wait3A_135 = arith.constant 0 : i32
      %dma_wait3A_136 = tpu.memref_slice %arg9[%dma_wait3A_134, %dma_wait3A_135] : memref<80x128xf32, #tpu.memory_space<vmem>> -> memref<40x128xf32, #tpu.memory_space<vmem>>
      %dma_wait3A_137 = arith.constant 0 : i32
      %dma_wait3A_138 = arith.constant 0 : i32
      %dma_wait3A_139 = tpu.memref_slice %arg2[%dma_wait3A_137, %dma_wait3A_138] : memref<10240x128xf32, #tpu.memory_space<hbm>> -> memref<40x128xf32, #tpu.memory_space<hbm>>
      tpu.wait_dma2 semaphore(%arg14 : memref<!tpu.dma_semaphore, #tpu.memory_space<semaphore_mem>>) src(%dma_wait3A_139 : memref<40x128xf32, #tpu.memory_space<hbm>>) dst(%dma_wait3A_136 : memref<40x128xf32, #tpu.memory_space<vmem>>)
      %add3A_140 = arith.constant 2 : i32
      %add3A_141 = arith.addi %mul3A_69, %add3A_140 : i32
      %mul3A_142 = arith.constant 80 : i32
      %mul3A_143 = arith.muli %add3A_141, %mul3A_142 : i32
      %dma_start3A_144 = arith.constant 0 : i32
      %dma_start3A_145 = arith.constant 0 : i32
      %dma_start3A_146 = tpu.memref_slice %arg8[%dma_start3A_144, %dma_start3A_145] : memref<80x128xf32, #tpu.memory_space<vmem>> -> memref<40x128xf32, #tpu.memory_space<vmem>>
      %dma_start3A_147 = tpu.memref_slice %arg6[%mul3A_143] : memref<10000xi32, #tpu.memory_space<vmem>> -> memref<40xi32, #tpu.memory_space<vmem>>
      %dma_start3A_148 = arith.constant 0 : i32
      %dma_start3A_149 = arith.constant 0 : i32
      %dma_start3A_150 = tpu.memref_slice %arg2[%dma_start3A_148, %dma_start3A_149] : memref<10240x128xf32, #tpu.memory_space<hbm>> -> memref<10240x128xf32, #tpu.memory_space<hbm>>
      tpu.enqueue_indirect_dma source(%dma_start3A_150 : memref<10240x128xf32, #tpu.memory_space<hbm>>) target(%dma_start3A_146 : memref<40x128xf32, #tpu.memory_space<vmem>>) offsets(%dma_start3A_147 : memref<40xi32, #tpu.memory_space<vmem>>) semaphore(%arg11 : memref<!tpu.dma_semaphore, #tpu.memory_space<semaphore_mem>>)
      %mul3A_151 = arith.constant 80 : i32
      %mul3A_152 = arith.muli %add3A_141, %mul3A_151 : i32
      %add3A_153 = arith.constant 40 : i32
      %add3A_154 = arith.addi %mul3A_152, %add3A_153 : i32
      %dma_start3A_155 = arith.constant 40 : i32
      %dma_start3A_156 = arith.constant 0 : i32
      %dma_start3A_157 = tpu.memref_slice %arg8[%dma_start3A_155, %dma_start3A_156] : memref<80x128xf32, #tpu.memory_space<vmem>> -> memref<40x128xf32, #tpu.memory_space<vmem>>
      %dma_start3A_158 = tpu.memref_slice %arg6[%add3A_154] : memref<10000xi32, #tpu.memory_space<vmem>> -> memref<40xi32, #tpu.memory_space<vmem>>
      %dma_start3A_159 = arith.constant 0 : i32
      %dma_start3A_160 = arith.constant 0 : i32
      %dma_start3A_161 = tpu.memref_slice %arg2[%dma_start3A_159, %dma_start3A_160] : memref<10240x128xf32, #tpu.memory_space<hbm>> -> memref<10240x128xf32, #tpu.memory_space<hbm>>
      tpu.enqueue_indirect_dma source(%dma_start3A_161 : memref<10240x128xf32, #tpu.memory_space<hbm>>) target(%dma_start3A_157 : memref<40x128xf32, #tpu.memory_space<vmem>>) offsets(%dma_start3A_158 : memref<40xi32, #tpu.memory_space<vmem>>) semaphore(%arg12 : memref<!tpu.dma_semaphore, #tpu.memory_space<semaphore_mem>>)
      %add3A_162 = arith.constant 1 : i32
      %add3A_163 = arith.addi %mul3A_69, %add3A_162 : i32
      "tpu.region"() ({
        %run_scoped3A_164 = tpu.sem_alloc : memref<!tpu.dma_semaphore, #tpu.memory_space<semaphore_mem>>
        %dma_start3A_165 = arith.constant 0 : i32
        %dma_start3A_166 = tpu.memref_slice %arg7[%add3A_163, %dma_start3A_165] : memref<125x80xi32, #tpu.memory_space<vmem>> -> memref<1x80xi32, #tpu.memory_space<vmem>>
        %dma_start3A_167 = tpu.memref_squeeze %dma_start3A_166 : memref<1x80xi32, #tpu.memory_space<vmem>> -> memref<80xi32, #tpu.memory_space<vmem>>
        %dma_start3A_168 = arith.constant 0 : i32
        %dma_start3A_169 = arith.constant 0 : i32
        %dma_start3A_170 = tpu.memref_slice %arg10[%dma_start3A_168, %dma_start3A_169] : memref<10240x128xf32, #tpu.memory_space<vmem_shared>> -> memref<10240x128xf32, #tpu.memory_space<vmem_shared>>
        tpu.enqueue_indirect_dma source(%arg9 : memref<80x128xf32, #tpu.memory_space<vmem>>) target(%dma_start3A_170 : memref<10240x128xf32, #tpu.memory_space<vmem_shared>>) offsets(%dma_start3A_167 : memref<80xi32, #tpu.memory_space<vmem>>) semaphore(%run_scoped3A_164 : memref<!tpu.dma_semaphore, #tpu.memory_space<semaphore_mem>>) {add = true}
        %dma_wait3A_171 = arith.constant 0 : i32
        %dma_wait3A_172 = tpu.memref_slice %arg7[%add3A_163, %dma_wait3A_171] : memref<125x80xi32, #tpu.memory_space<vmem>> -> memref<1x80xi32, #tpu.memory_space<vmem>>
        %dma_wait3A_173 = tpu.memref_squeeze %dma_wait3A_172 : memref<1x80xi32, #tpu.memory_space<vmem>> -> memref<80xi32, #tpu.memory_space<vmem>>
        %dma_wait3A_174 = arith.constant 0 : i32
        %dma_wait3A_175 = arith.constant 0 : i32
        %dma_wait3A_176 = tpu.memref_slice %arg10[%dma_wait3A_174, %dma_wait3A_175] : memref<10240x128xf32, #tpu.memory_space<vmem_shared>> -> memref<10240x128xf32, #tpu.memory_space<vmem_shared>>
        tpu.wait_indirect_dma semaphore(%run_scoped3A_164 : memref<!tpu.dma_semaphore, #tpu.memory_space<semaphore_mem>>) src(%arg9 : memref<80x128xf32, #tpu.memory_space<vmem>>) dst(%dma_wait3A_176 : memref<10240x128xf32, #tpu.memory_space<vmem_shared>>)
        tpu.yield
      }) : () -> ()
    }
    %scan3A_42 = arith.constant 62 : i32
    %dma_wait3A = arith.constant 0 : i32
    %dma_wait3A_43 = arith.constant 0 : i32
    %dma_wait3A_44 = tpu.memref_slice %arg8[%dma_wait3A, %dma_wait3A_43] : memref<80x128xf32, #tpu.memory_space<vmem>> -> memref<40x128xf32, #tpu.memory_space<vmem>>
    %dma_wait3A_45 = arith.constant 0 : i32
    %dma_wait3A_46 = arith.constant 0 : i32
    %dma_wait3A_47 = tpu.memref_slice %arg2[%dma_wait3A_45, %dma_wait3A_46] : memref<10240x128xf32, #tpu.memory_space<hbm>> -> memref<40x128xf32, #tpu.memory_space<hbm>>
    %dma_wait3A_48 = arith.constant 0 : i32
    %dma_wait3A_49 = arith.constant 0 : i32
    %dma_wait3A_50 = tpu.memref_slice %arg8[%dma_wait3A_48, %dma_wait3A_49] : memref<80x128xf32, #tpu.memory_space<vmem>> -> memref<40x128xf32, #tpu.memory_space<vmem>>
    %dma_wait3A_51 = arith.constant 0 : i32
    %dma_wait3A_52 = arith.constant 0 : i32
    %dma_wait3A_53 = tpu.memref_slice %arg2[%dma_wait3A_51, %dma_wait3A_52] : memref<10240x128xf32, #tpu.memory_space<hbm>> -> memref<40x128xf32, #tpu.memory_space<hbm>>
    tpu.wait_dma2 semaphore(%arg11 : memref<!tpu.dma_semaphore, #tpu.memory_space<semaphore_mem>>) src(%dma_wait3A_53 : memref<40x128xf32, #tpu.memory_space<hbm>>) dst(%dma_wait3A_50 : memref<40x128xf32, #tpu.memory_space<vmem>>)
    %dma_wait3A_54 = arith.constant 40 : i32
    %dma_wait3A_55 = arith.constant 0 : i32
    %dma_wait3A_56 = tpu.memref_slice %arg8[%dma_wait3A_54, %dma_wait3A_55] : memref<80x128xf32, #tpu.memory_space<vmem>> -> memref<40x128xf32, #tpu.memory_space<vmem>>
    %dma_wait3A_57 = arith.constant 0 : i32
    %dma_wait3A_58 = arith.constant 0 : i32
    %dma_wait3A_59 = tpu.memref_slice %arg2[%dma_wait3A_57, %dma_wait3A_58] : memref<10240x128xf32, #tpu.memory_space<hbm>> -> memref<40x128xf32, #tpu.memory_space<hbm>>
    %dma_wait3A_60 = arith.constant 40 : i32
    %dma_wait3A_61 = arith.constant 0 : i32
    %dma_wait3A_62 = tpu.memref_slice %arg8[%dma_wait3A_60, %dma_wait3A_61] : memref<80x128xf32, #tpu.memory_space<vmem>> -> memref<40x128xf32, #tpu.memory_space<vmem>>
    %dma_wait3A_63 = arith.constant 0 : i32
    %dma_wait3A_64 = arith.constant 0 : i32
    %dma_wait3A_65 = tpu.memref_slice %arg2[%dma_wait3A_63, %dma_wait3A_64] : memref<10240x128xf32, #tpu.memory_space<hbm>> -> memref<40x128xf32, #tpu.memory_space<hbm>>
    tpu.wait_dma2 semaphore(%arg12 : memref<!tpu.dma_semaphore, #tpu.memory_space<semaphore_mem>>) src(%dma_wait3A_65 : memref<40x128xf32, #tpu.memory_space<hbm>>) dst(%dma_wait3A_62 : memref<40x128xf32, #tpu.memory_space<vmem>>)
    %run_scoped3A = arith.constant 124 : i32
    "tpu.region"() ({
      %run_scoped3A_67 = tpu.sem_alloc : memref<!tpu.dma_semaphore, #tpu.memory_space<semaphore_mem>>
      %dma_start3A_68 = arith.constant 0 : i32
      %dma_start3A_69 = tpu.memref_slice %arg7[%run_scoped3A, %dma_start3A_68] : memref<125x80xi32, #tpu.memory_space<vmem>> -> memref<1x80xi32, #tpu.memory_space<vmem>>
      %dma_start3A_70 = tpu.memref_squeeze %dma_start3A_69 : memref<1x80xi32, #tpu.memory_space<vmem>> -> memref<80xi32, #tpu.memory_space<vmem>>
      %dma_start3A_71 = arith.constant 0 : i32
      %dma_start3A_72 = arith.constant 0 : i32
      %dma_start3A_73 = tpu.memref_slice %arg10[%dma_start3A_71, %dma_start3A_72] : memref<10240x128xf32, #tpu.memory_space<vmem_shared>> -> memref<10240x128xf32, #tpu.memory_space<vmem_shared>>
      tpu.enqueue_indirect_dma source(%arg8 : memref<80x128xf32, #tpu.memory_space<vmem>>) target(%dma_start3A_73 : memref<10240x128xf32, #tpu.memory_space<vmem_shared>>) offsets(%dma_start3A_70 : memref<80xi32, #tpu.memory_space<vmem>>) semaphore(%run_scoped3A_67 : memref<!tpu.dma_semaphore, #tpu.memory_space<semaphore_mem>>) {add = true}
      %dma_wait3A_74 = arith.constant 0 : i32
      %dma_wait3A_75 = tpu.memref_slice %arg7[%run_scoped3A, %dma_wait3A_74] : memref<125x80xi32, #tpu.memory_space<vmem>> -> memref<1x80xi32, #tpu.memory_space<vmem>>
      %dma_wait3A_76 = tpu.memref_squeeze %dma_wait3A_75 : memref<1x80xi32, #tpu.memory_space<vmem>> -> memref<80xi32, #tpu.memory_space<vmem>>
      %dma_wait3A_77 = arith.constant 0 : i32
      %dma_wait3A_78 = arith.constant 0 : i32
      %dma_wait3A_79 = tpu.memref_slice %arg10[%dma_wait3A_77, %dma_wait3A_78] : memref<10240x128xf32, #tpu.memory_space<vmem_shared>> -> memref<10240x128xf32, #tpu.memory_space<vmem_shared>>
      tpu.wait_indirect_dma semaphore(%run_scoped3A_67 : memref<!tpu.dma_semaphore, #tpu.memory_space<semaphore_mem>>) src(%arg8 : memref<80x128xf32, #tpu.memory_space<vmem>>) dst(%dma_wait3A_79 : memref<10240x128xf32, #tpu.memory_space<vmem_shared>>)
      tpu.yield
    }) : () -> ()
    %barrier3A_66 = arith.constant 0 : index
    tpu.barrier barrier_id(%barrier3A_66)
    "tpu.region"() ({
      %run_scoped3A_67 = tpu.sem_alloc : memref<!tpu.dma_semaphore, #tpu.memory_space<semaphore_mem>>
      %dma_start3A_68 = arith.constant 0 : i32
      %dma_start3A_69 = arith.constant 0 : i32
      %dma_start3A_70 = tpu.memref_slice %arg5[%arg0, %dma_start3A_68, %dma_start3A_69] : memref<2x10240x128xf32, #tpu.memory_space<hbm>> -> memref<1x10240x128xf32, #tpu.memory_space<hbm>>
      %dma_start3A_71 = tpu.memref_squeeze %dma_start3A_70 : memref<1x10240x128xf32, #tpu.memory_space<hbm>> -> memref<10240x128xf32, #tpu.memory_space<hbm>>
      %dma_start3A_72 = arith.constant 0 : i32
      %dma_start3A_73 = tpu.memref_slice %dma_start3A_71[%mul3A_21, %dma_start3A_72] : memref<10240x128xf32, #tpu.memory_space<hbm>> -> memref<640x128xf32, #tpu.memory_space<hbm>>
      %dma_start3A_74 = arith.constant 0 : i32
      %dma_start3A_75 = tpu.memref_slice %arg10[%mul3A_21, %dma_start3A_74] : memref<10240x128xf32, #tpu.memory_space<vmem_shared>> -> memref<640x128xf32, #tpu.memory_space<vmem_shared>>
      tpu.enqueue_dma source(%dma_start3A_75 : memref<640x128xf32, #tpu.memory_space<vmem_shared>>) target(%dma_start3A_73 : memref<640x128xf32, #tpu.memory_space<hbm>>) target_semaphore(%run_scoped3A_67 : memref<!tpu.dma_semaphore, #tpu.memory_space<semaphore_mem>>)
      %dma_wait3A_76 = arith.constant 0 : i32
      %dma_wait3A_77 = arith.constant 0 : i32
      %dma_wait3A_78 = tpu.memref_slice %arg5[%arg0, %dma_wait3A_76, %dma_wait3A_77] : memref<2x10240x128xf32, #tpu.memory_space<hbm>> -> memref<1x10240x128xf32, #tpu.memory_space<hbm>>
      %dma_wait3A_79 = tpu.memref_squeeze %dma_wait3A_78 : memref<1x10240x128xf32, #tpu.memory_space<hbm>> -> memref<10240x128xf32, #tpu.memory_space<hbm>>
      %dma_wait3A_80 = arith.constant 0 : i32
      %dma_wait3A_81 = tpu.memref_slice %dma_wait3A_79[%mul3A_21, %dma_wait3A_80] : memref<10240x128xf32, #tpu.memory_space<hbm>> -> memref<640x128xf32, #tpu.memory_space<hbm>>
      %dma_wait3A_82 = arith.constant 0 : i32
      %dma_wait3A_83 = tpu.memref_slice %arg10[%mul3A_21, %dma_wait3A_82] : memref<10240x128xf32, #tpu.memory_space<vmem_shared>> -> memref<640x128xf32, #tpu.memory_space<vmem_shared>>
      tpu.wait_dma2 semaphore(%run_scoped3A_67 : memref<!tpu.dma_semaphore, #tpu.memory_space<semaphore_mem>>) src(%dma_wait3A_83 : memref<640x128xf32, #tpu.memory_space<vmem_shared>>) dst(%dma_wait3A_81 : memref<640x128xf32, #tpu.memory_space<hbm>>)
      tpu.yield
    }) : () -> ()
    return
  }
}

#map = affine_map<(d0, d1) -> (0, 0, 0, 0)>
#map1 = affine_map<(d0, d1) -> (0, 0)>
module attributes {stable_mosaic.version = 14 : i64} {
  func.func @_deg_kernel(%arg0: i32, %arg1: i32, %arg2: memref<2x16x80x125xi32, #tpu.memory_space<hbm>>, %arg3: memref<2x10240xf32, #tpu.memory_space<hbm>>, %arg4: memref<80x125xi32, #tpu.memory_space<vmem>>, %arg5: memref<128xf32, #tpu.memory_space<vmem>>, %arg6: memref<10240xf32, #tpu.memory_space<vmem>>, %arg7: memref<10240xf32, #tpu.memory_space<vmem_shared>>) attributes {dimension_semantics = [#tpu.dimension_semantics<core_parallel>, #tpu.dimension_semantics<subcore_parallel>], iteration_bounds = array<i64: 2, 16>, scalar_prefetch = 0 : i64, scratch_operands = 4 : i64, tpu.core_type = #tpu.core_type<sc_vector_subcore>, window_params = [{transform_indices = #map}, {transform_indices = #map1}]} {
    "tpu.region"() ({
      %run_scoped3A = tpu.sem_alloc : memref<!tpu.dma_semaphore, #tpu.memory_space<semaphore_mem>>
      %dma_start3A = arith.constant 0 : i32
      %dma_start3A_41 = arith.constant 0 : i32
      %dma_start3A_42 = tpu.memref_slice %arg2[%arg0, %arg1, %dma_start3A, %dma_start3A_41] : memref<2x16x80x125xi32, #tpu.memory_space<hbm>> -> memref<1x1x80x125xi32, #tpu.memory_space<hbm>>
      %dma_start3A_43 = tpu.memref_squeeze %dma_start3A_42 : memref<1x1x80x125xi32, #tpu.memory_space<hbm>> -> memref<80x125xi32, #tpu.memory_space<hbm>>
      %dma_start3A_44 = arith.constant 0 : i32
      %dma_start3A_45 = arith.constant 0 : i32
      %dma_start3A_46 = tpu.memref_slice %arg2[%arg0, %arg1, %dma_start3A_44, %dma_start3A_45] : memref<2x16x80x125xi32, #tpu.memory_space<hbm>> -> memref<1x1x80x125xi32, #tpu.memory_space<hbm>>
      %dma_start3A_47 = tpu.memref_squeeze %dma_start3A_46 : memref<1x1x80x125xi32, #tpu.memory_space<hbm>> -> memref<80x125xi32, #tpu.memory_space<hbm>>
      tpu.enqueue_dma source(%dma_start3A_47 : memref<80x125xi32, #tpu.memory_space<hbm>>) target(%arg4 : memref<80x125xi32, #tpu.memory_space<vmem>>) target_semaphore(%run_scoped3A : memref<!tpu.dma_semaphore, #tpu.memory_space<semaphore_mem>>)
      %dma_wait3A = arith.constant 0 : i32
      %dma_wait3A_48 = arith.constant 0 : i32
      %dma_wait3A_49 = tpu.memref_slice %arg2[%arg0, %arg1, %dma_wait3A, %dma_wait3A_48] : memref<2x16x80x125xi32, #tpu.memory_space<hbm>> -> memref<1x1x80x125xi32, #tpu.memory_space<hbm>>
      %dma_wait3A_50 = tpu.memref_squeeze %dma_wait3A_49 : memref<1x1x80x125xi32, #tpu.memory_space<hbm>> -> memref<80x125xi32, #tpu.memory_space<hbm>>
      %dma_wait3A_51 = arith.constant 0 : i32
      %dma_wait3A_52 = arith.constant 0 : i32
      %dma_wait3A_53 = tpu.memref_slice %arg2[%arg0, %arg1, %dma_wait3A_51, %dma_wait3A_52] : memref<2x16x80x125xi32, #tpu.memory_space<hbm>> -> memref<1x1x80x125xi32, #tpu.memory_space<hbm>>
      %dma_wait3A_54 = tpu.memref_squeeze %dma_wait3A_53 : memref<1x1x80x125xi32, #tpu.memory_space<hbm>> -> memref<80x125xi32, #tpu.memory_space<hbm>>
      tpu.wait_dma2 semaphore(%run_scoped3A : memref<!tpu.dma_semaphore, #tpu.memory_space<semaphore_mem>>) src(%dma_wait3A_54 : memref<80x125xi32, #tpu.memory_space<hbm>>) dst(%arg4 : memref<80x125xi32, #tpu.memory_space<vmem>>)
      tpu.yield
    }) : () -> ()
    %broadcast_in_dim3A = arith.constant 1.000000e+00 : f32
    %broadcast_in_dim3A_0 = vector.broadcast %broadcast_in_dim3A : f32 to vector<16xf32>
    %swap3A = arith.constant 0 : index
    %swap3A_1 = tpu.vector_load %arg5[%swap3A] {strides = array<i32>} : memref<128xf32, #tpu.memory_space<vmem>>, vector<16xf32>,
    %swap3A_2 = vector.shape_cast %swap3A_1 : vector<16xf32> to vector<16xf32>
    %swap3A_3 = vector.shape_cast %broadcast_in_dim3A_0 : vector<16xf32> to vector<16xf32>
    tpu.vector_store %arg5[%swap3A], %swap3A_3 {strides = array<i32>} : memref<128xf32, #tpu.memory_space<vmem>>, vector<16xf32>,
    %swap3A_4 = arith.constant 16 : index
    %swap3A_5 = tpu.vector_load %arg5[%swap3A_4] {strides = array<i32>} : memref<128xf32, #tpu.memory_space<vmem>>, vector<16xf32>,
    %swap3A_6 = vector.shape_cast %swap3A_5 : vector<16xf32> to vector<16xf32>
    %swap3A_7 = vector.shape_cast %broadcast_in_dim3A_0 : vector<16xf32> to vector<16xf32>
    tpu.vector_store %arg5[%swap3A_4], %swap3A_7 {strides = array<i32>} : memref<128xf32, #tpu.memory_space<vmem>>, vector<16xf32>,
    %swap3A_8 = arith.constant 32 : index
    %swap3A_9 = tpu.vector_load %arg5[%swap3A_8] {strides = array<i32>} : memref<128xf32, #tpu.memory_space<vmem>>, vector<16xf32>,
    %swap3A_10 = vector.shape_cast %swap3A_9 : vector<16xf32> to vector<16xf32>
    %swap3A_11 = vector.shape_cast %broadcast_in_dim3A_0 : vector<16xf32> to vector<16xf32>
    tpu.vector_store %arg5[%swap3A_8], %swap3A_11 {strides = array<i32>} : memref<128xf32, #tpu.memory_space<vmem>>, vector<16xf32>,
    %swap3A_12 = arith.constant 48 : index
    %swap3A_13 = tpu.vector_load %arg5[%swap3A_12] {strides = array<i32>} : memref<128xf32, #tpu.memory_space<vmem>>, vector<16xf32>,
    %swap3A_14 = vector.shape_cast %swap3A_13 : vector<16xf32> to vector<16xf32>
    %swap3A_15 = vector.shape_cast %broadcast_in_dim3A_0 : vector<16xf32> to vector<16xf32>
    tpu.vector_store %arg5[%swap3A_12], %swap3A_15 {strides = array<i32>} : memref<128xf32, #tpu.memory_space<vmem>>, vector<16xf32>,
    %swap3A_16 = arith.constant 64 : index
    %swap3A_17 = tpu.vector_load %arg5[%swap3A_16] {strides = array<i32>} : memref<128xf32, #tpu.memory_space<vmem>>, vector<16xf32>,
    %swap3A_18 = vector.shape_cast %swap3A_17 : vector<16xf32> to vector<16xf32>
    %swap3A_19 = vector.shape_cast %broadcast_in_dim3A_0 : vector<16xf32> to vector<16xf32>
    tpu.vector_store %arg5[%swap3A_16], %swap3A_19 {strides = array<i32>} : memref<128xf32, #tpu.memory_space<vmem>>, vector<16xf32>,
    %swap3A_20 = arith.constant 80 : index
    %swap3A_21 = tpu.vector_load %arg5[%swap3A_20] {strides = array<i32>} : memref<128xf32, #tpu.memory_space<vmem>>, vector<16xf32>,
    %swap3A_22 = vector.shape_cast %swap3A_21 : vector<16xf32> to vector<16xf32>
    %swap3A_23 = vector.shape_cast %broadcast_in_dim3A_0 : vector<16xf32> to vector<16xf32>
    tpu.vector_store %arg5[%swap3A_20], %swap3A_23 {strides = array<i32>} : memref<128xf32, #tpu.memory_space<vmem>>, vector<16xf32>,
    %swap3A_24 = arith.constant 96 : index
    %swap3A_25 = tpu.vector_load %arg5[%swap3A_24] {strides = array<i32>} : memref<128xf32, #tpu.memory_space<vmem>>, vector<16xf32>,
    %swap3A_26 = vector.shape_cast %swap3A_25 : vector<16xf32> to vector<16xf32>
    %swap3A_27 = vector.shape_cast %broadcast_in_dim3A_0 : vector<16xf32> to vector<16xf32>
    tpu.vector_store %arg5[%swap3A_24], %swap3A_27 {strides = array<i32>} : memref<128xf32, #tpu.memory_space<vmem>>, vector<16xf32>,
    %swap3A_28 = arith.constant 112 : index
    %swap3A_29 = tpu.vector_load %arg5[%swap3A_28] {strides = array<i32>} : memref<128xf32, #tpu.memory_space<vmem>>, vector<16xf32>,
    %swap3A_30 = vector.shape_cast %swap3A_29 : vector<16xf32> to vector<16xf32>
    %swap3A_31 = vector.shape_cast %broadcast_in_dim3A_0 : vector<16xf32> to vector<16xf32>
    tpu.vector_store %arg5[%swap3A_28], %swap3A_31 {strides = array<i32>} : memref<128xf32, #tpu.memory_space<vmem>>, vector<16xf32>,
    %eq3A = arith.constant 0 : i32
    %eq3A_32 = arith.cmpi eq, %arg1, %eq3A : i32
    %convert_element_type3A = arith.extui %eq3A_32 : i1 to i32
    %cond3A = arith.constant 0 : i32
    %cond3A_33 = arith.cmpi ne, %convert_element_type3A, %cond3A : i32
    scf.if %cond3A_33 {
      %broadcast_in_dim3A_41 = arith.constant 0.000000e+00 : f32
      %broadcast_in_dim3A_42 = vector.broadcast %broadcast_in_dim3A_41 : f32 to vector<16xf32>
      %scan3A_43 = arith.constant 0 : i32
      %scan3A_44 = arith.constant 0 : i32
      %scan3A_45 = arith.constant 640 : i32
      %scan3A_46 = arith.addi %scan3A_44, %scan3A_45 : i32
      %scan3A_47 = arith.constant 1 : i32
      scf.for %scan3A_49 = %scan3A_44 to %scan3A_46 step %scan3A_47  : i32 {
        %mul3A_50 = arith.constant 16 : i32
        %mul3A_51 = arith.muli %scan3A_49, %mul3A_50 : i32
        %swap3A_52 = arith.index_cast %mul3A_51 : i32 to index
        %swap3A_53 = tpu.vector_load %arg6[%swap3A_52] {strides = array<i32>} : memref<10240xf32, #tpu.memory_space<vmem>>, vector<16xf32>,
        %swap3A_54 = vector.shape_cast %swap3A_53 : vector<16xf32> to vector<16xf32>
        %swap3A_55 = vector.shape_cast %broadcast_in_dim3A_42 : vector<16xf32> to vector<16xf32>
        tpu.vector_store %arg6[%swap3A_52], %swap3A_55 {strides = array<i32>} : memref<10240xf32, #tpu.memory_space<vmem>>, vector<16xf32>,
      }
      %scan3A_48 = arith.constant 640 : i32
      "tpu.region"() ({
        %run_scoped3A = tpu.sem_alloc : memref<!tpu.dma_semaphore, #tpu.memory_space<semaphore_mem>>
        tpu.enqueue_dma source(%arg6 : memref<10240xf32, #tpu.memory_space<vmem>>) target(%arg7 : memref<10240xf32, #tpu.memory_space<vmem_shared>>) target_semaphore(%run_scoped3A : memref<!tpu.dma_semaphore, #tpu.memory_space<semaphore_mem>>)
        tpu.wait_dma2 semaphore(%run_scoped3A : memref<!tpu.dma_semaphore, #tpu.memory_space<semaphore_mem>>) src(%arg6 : memref<10240xf32, #tpu.memory_space<vmem>>) dst(%arg7 : memref<10240xf32, #tpu.memory_space<vmem_shared>>)
        tpu.yield
      }) : () -> ()
    } else {
    }
    %barrier3A = arith.constant 0 : index
    tpu.barrier barrier_id(%barrier3A)
    %scan3A = arith.constant 0 : i32
    %scan3A_34 = arith.constant 0 : i32
    %scan3A_35 = arith.constant 80 : i32
    %scan3A_36 = arith.addi %scan3A_34, %scan3A_35 : i32
    %scan3A_37 = arith.constant 1 : i32
    scf.for %scan3A_41 = %scan3A_34 to %scan3A_36 step %scan3A_37  : i32 {
      "tpu.region"() ({
        %run_scoped3A = tpu.sem_alloc : memref<!tpu.dma_semaphore, #tpu.memory_space<semaphore_mem>>
        %dma_start3A = arith.constant 0 : i32
        %dma_start3A_42 = tpu.memref_slice %arg5[%dma_start3A] : memref<128xf32, #tpu.memory_space<vmem>> -> memref<125xf32, #tpu.memory_space<vmem>>
        %dma_start3A_43 = arith.constant 0 : i32
        %dma_start3A_44 = tpu.memref_slice %arg4[%scan3A_41, %dma_start3A_43] : memref<80x125xi32, #tpu.memory_space<vmem>> -> memref<1x125xi32, #tpu.memory_space<vmem>>
        %dma_start3A_45 = tpu.memref_squeeze %dma_start3A_44 : memref<1x125xi32, #tpu.memory_space<vmem>> -> memref<125xi32, #tpu.memory_space<vmem>>
        %dma_start3A_46 = arith.constant 0 : i32
        %dma_start3A_47 = tpu.memref_slice %arg7[%dma_start3A_46] : memref<10240xf32, #tpu.memory_space<vmem_shared>> -> memref<10240xf32, #tpu.memory_space<vmem_shared>>
        tpu.enqueue_indirect_dma source(%dma_start3A_42 : memref<125xf32, #tpu.memory_space<vmem>>) target(%dma_start3A_47 : memref<10240xf32, #tpu.memory_space<vmem_shared>>) offsets(%dma_start3A_45 : memref<125xi32, #tpu.memory_space<vmem>>) semaphore(%run_scoped3A : memref<!tpu.dma_semaphore, #tpu.memory_space<semaphore_mem>>) {add = true}
        %dma_wait3A = arith.constant 0 : i32
        %dma_wait3A_48 = tpu.memref_slice %arg5[%dma_wait3A] : memref<128xf32, #tpu.memory_space<vmem>> -> memref<125xf32, #tpu.memory_space<vmem>>
        %dma_wait3A_49 = arith.constant 0 : i32
        %dma_wait3A_50 = tpu.memref_slice %arg4[%scan3A_41, %dma_wait3A_49] : memref<80x125xi32, #tpu.memory_space<vmem>> -> memref<1x125xi32, #tpu.memory_space<vmem>>
        %dma_wait3A_51 = tpu.memref_squeeze %dma_wait3A_50 : memref<1x125xi32, #tpu.memory_space<vmem>> -> memref<125xi32, #tpu.memory_space<vmem>>
        %dma_wait3A_52 = arith.constant 0 : i32
        %dma_wait3A_53 = tpu.memref_slice %arg7[%dma_wait3A_52] : memref<10240xf32, #tpu.memory_space<vmem_shared>> -> memref<10240xf32, #tpu.memory_space<vmem_shared>>
        tpu.wait_indirect_dma semaphore(%run_scoped3A : memref<!tpu.dma_semaphore, #tpu.memory_space<semaphore_mem>>) src(%dma_wait3A_48 : memref<125xf32, #tpu.memory_space<vmem>>) dst(%dma_wait3A_53 : memref<10240xf32, #tpu.memory_space<vmem_shared>>)
        tpu.yield
      }) : () -> ()
    }
    %scan3A_38 = arith.constant 80 : i32
    %barrier3A_39 = arith.constant 0 : index
    tpu.barrier barrier_id(%barrier3A_39)
    %mul3A = arith.constant 640 : i32
    %mul3A_40 = arith.muli %arg1, %mul3A : i32
    "tpu.region"() ({
      %run_scoped3A = tpu.sem_alloc : memref<!tpu.dma_semaphore, #tpu.memory_space<semaphore_mem>>
      %dma_start3A = arith.constant 0 : i32
      %dma_start3A_41 = tpu.memref_slice %arg3[%arg0, %dma_start3A] : memref<2x10240xf32, #tpu.memory_space<hbm>> -> memref<1x10240xf32, #tpu.memory_space<hbm>>
      %dma_start3A_42 = tpu.memref_squeeze %dma_start3A_41 : memref<1x10240xf32, #tpu.memory_space<hbm>> -> memref<10240xf32, #tpu.memory_space<hbm>>
      %dma_start3A_43 = tpu.memref_slice %dma_start3A_42[%mul3A_40] : memref<10240xf32, #tpu.memory_space<hbm>> -> memref<640xf32, #tpu.memory_space<hbm>>
      %dma_start3A_44 = tpu.memref_slice %arg7[%mul3A_40] : memref<10240xf32, #tpu.memory_space<vmem_shared>> -> memref<640xf32, #tpu.memory_space<vmem_shared>>
      tpu.enqueue_dma source(%dma_start3A_44 : memref<640xf32, #tpu.memory_space<vmem_shared>>) target(%dma_start3A_43 : memref<640xf32, #tpu.memory_space<hbm>>) target_semaphore(%run_scoped3A : memref<!tpu.dma_semaphore, #tpu.memory_space<semaphore_mem>>)
      %dma_wait3A = arith.constant 0 : i32
      %dma_wait3A_45 = tpu.memref_slice %arg3[%arg0, %dma_wait3A] : memref<2x10240xf32, #tpu.memory_space<hbm>> -> memref<1x10240xf32, #tpu.memory_space<hbm>>
      %dma_wait3A_46 = tpu.memref_squeeze %dma_wait3A_45 : memref<1x10240xf32, #tpu.memory_space<hbm>> -> memref<10240xf32, #tpu.memory_space<hbm>>
      %dma_wait3A_47 = tpu.memref_slice %dma_wait3A_46[%mul3A_40] : memref<10240xf32, #tpu.memory_space<hbm>> -> memref<640xf32, #tpu.memory_space<hbm>>
      %dma_wait3A_48 = tpu.memref_slice %arg7[%mul3A_40] : memref<10240xf32, #tpu.memory_space<vmem_shared>> -> memref<640xf32, #tpu.memory_space<vmem_shared>>
      tpu.wait_dma2 semaphore(%run_scoped3A : memref<!tpu.dma_semaphore, #tpu.memory_space<semaphore_mem>>) src(%dma_wait3A_48 : memref<640xf32, #tpu.memory_space<vmem_shared>>) dst(%dma_wait3A_47 : memref<640xf32, #tpu.memory_space<hbm>>)
      tpu.yield
    }) : () -> ()
    return
  }
}

#map = affine_map<(d0, d1) -> (0, 0)>
#map1 = affine_map<(d0, d1) -> (0, 0, 0)>
#map2 = affine_map<(d0, d1) -> (0, 0, 0, 0)>
module attributes {stable_mosaic.version = 14 : i64} {
  func.func @_mp_kernel(%arg0: i32, %arg1: i32, %arg2: memref<10240x128xf32, #tpu.memory_space<hbm>>, %arg3: memref<2x16x10000xi32, #tpu.memory_space<hbm>>, %arg4: memref<2x16x125x80xi32, #tpu.memory_space<hbm>>, %arg5: memref<2x10240x128xf32, #tpu.memory_space<hbm>>, %arg6: memref<10000xi32, #tpu.memory_space<vmem>>, %arg7: memref<125x80xi32, #tpu.memory_space<vmem>>, %arg8: memref<80x128xf32, #tpu.memory_space<vmem>>, %arg9: memref<80x128xf32, #tpu.memory_space<vmem>>, %arg10: memref<10240x128xf32, #tpu.memory_space<vmem_shared>>, %arg11: memref<!tpu.dma_semaphore, #tpu.memory_space<semaphore_mem>>, %arg12: memref<!tpu.dma_semaphore, #tpu.memory_space<semaphore_mem>>, %arg13: memref<!tpu.dma_semaphore, #tpu.memory_space<semaphore_mem>>, %arg14: memref<!tpu.dma_semaphore, #tpu.memory_space<semaphore_mem>>) attributes {dimension_semantics = [#tpu.dimension_semantics<core_parallel>, #tpu.dimension_semantics<subcore_parallel>], iteration_bounds = array<i64: 2, 16>, scalar_prefetch = 0 : i64, scratch_operands = 9 : i64, tpu.core_type = #tpu.core_type<sc_vector_subcore>, window_params = [{transform_indices = #map}, {transform_indices = #map1}, {transform_indices = #map2}, {transform_indices = #map1}]} {
    "tpu.region"() ({
      %run_scoped3A_67 = tpu.sem_alloc : memref<!tpu.dma_semaphore, #tpu.memory_space<semaphore_mem>>
      %dma_start3A_68 = arith.constant 0 : i32
      %dma_start3A_69 = tpu.memref_slice %arg3[%arg0, %arg1, %dma_start3A_68] : memref<2x16x10000xi32, #tpu.memory_space<hbm>> -> memref<1x1x10000xi32, #tpu.memory_space<hbm>>
      %dma_start3A_70 = tpu.memref_squeeze %dma_start3A_69 : memref<1x1x10000xi32, #tpu.memory_space<hbm>> -> memref<10000xi32, #tpu.memory_space<hbm>>
      %dma_start3A_71 = arith.constant 0 : i32
      %dma_start3A_72 = tpu.memref_slice %arg3[%arg0, %arg1, %dma_start3A_71] : memref<2x16x10000xi32, #tpu.memory_space<hbm>> -> memref<1x1x10000xi32, #tpu.memory_space<hbm>>
      %dma_start3A_73 = tpu.memref_squeeze %dma_start3A_72 : memref<1x1x10000xi32, #tpu.memory_space<hbm>> -> memref<10000xi32, #tpu.memory_space<hbm>>
      tpu.enqueue_dma source(%dma_start3A_73 : memref<10000xi32, #tpu.memory_space<hbm>>) target(%arg6 : memref<10000xi32, #tpu.memory_space<vmem>>) target_semaphore(%run_scoped3A_67 : memref<!tpu.dma_semaphore, #tpu.memory_space<semaphore_mem>>)
      %dma_wait3A_74 = arith.constant 0 : i32
      %dma_wait3A_75 = tpu.memref_slice %arg3[%arg0, %arg1, %dma_wait3A_74] : memref<2x16x10000xi32, #tpu.memory_space<hbm>> -> memref<1x1x10000xi32, #tpu.memory_space<hbm>>
      %dma_wait3A_76 = tpu.memref_squeeze %dma_wait3A_75 : memref<1x1x10000xi32, #tpu.memory_space<hbm>> -> memref<10000xi32, #tpu.memory_space<hbm>>
      %dma_wait3A_77 = arith.constant 0 : i32
      %dma_wait3A_78 = tpu.memref_slice %arg3[%arg0, %arg1, %dma_wait3A_77] : memref<2x16x10000xi32, #tpu.memory_space<hbm>> -> memref<1x1x10000xi32, #tpu.memory_space<hbm>>
      %dma_wait3A_79 = tpu.memref_squeeze %dma_wait3A_78 : memref<1x1x10000xi32, #tpu.memory_space<hbm>> -> memref<10000xi32, #tpu.memory_space<hbm>>
      tpu.wait_dma2 semaphore(%run_scoped3A_67 : memref<!tpu.dma_semaphore, #tpu.memory_space<semaphore_mem>>) src(%dma_wait3A_79 : memref<10000xi32, #tpu.memory_space<hbm>>) dst(%arg6 : memref<10000xi32, #tpu.memory_space<vmem>>)
      tpu.yield
    }) : () -> ()
    "tpu.region"() ({
      %run_scoped3A_67 = tpu.sem_alloc : memref<!tpu.dma_semaphore, #tpu.memory_space<semaphore_mem>>
      %dma_start3A_68 = arith.constant 0 : i32
      %dma_start3A_69 = arith.constant 0 : i32
      %dma_start3A_70 = tpu.memref_slice %arg4[%arg0, %arg1, %dma_start3A_68, %dma_start3A_69] : memref<2x16x125x80xi32, #tpu.memory_space<hbm>> -> memref<1x1x125x80xi32, #tpu.memory_space<hbm>>
      %dma_start3A_71 = tpu.memref_squeeze %dma_start3A_70 : memref<1x1x125x80xi32, #tpu.memory_space<hbm>> -> memref<125x80xi32, #tpu.memory_space<hbm>>
      %dma_start3A_72 = arith.constant 0 : i32
      %dma_start3A_73 = arith.constant 0 : i32
      %dma_start3A_74 = tpu.memref_slice %arg4[%arg0, %arg1, %dma_start3A_72, %dma_start3A_73] : memref<2x16x125x80xi32, #tpu.memory_space<hbm>> -> memref<1x1x125x80xi32, #tpu.memory_space<hbm>>
      %dma_start3A_75 = tpu.memref_squeeze %dma_start3A_74 : memref<1x1x125x80xi32, #tpu.memory_space<hbm>> -> memref<125x80xi32, #tpu.memory_space<hbm>>
      tpu.enqueue_dma source(%dma_start3A_75 : memref<125x80xi32, #tpu.memory_space<hbm>>) target(%arg7 : memref<125x80xi32, #tpu.memory_space<vmem>>) target_semaphore(%run_scoped3A_67 : memref<!tpu.dma_semaphore, #tpu.memory_space<semaphore_mem>>)
      %dma_wait3A_76 = arith.constant 0 : i32
      %dma_wait3A_77 = arith.constant 0 : i32
      %dma_wait3A_78 = tpu.memref_slice %arg4[%arg0, %arg1, %dma_wait3A_76, %dma_wait3A_77] : memref<2x16x125x80xi32, #tpu.memory_space<hbm>> -> memref<1x1x125x80xi32, #tpu.memory_space<hbm>>
      %dma_wait3A_79 = tpu.memref_squeeze %dma_wait3A_78 : memref<1x1x125x80xi32, #tpu.memory_space<hbm>> -> memref<125x80xi32, #tpu.memory_space<hbm>>
      %dma_wait3A_80 = arith.constant 0 : i32
      %dma_wait3A_81 = arith.constant 0 : i32
      %dma_wait3A_82 = tpu.memref_slice %arg4[%arg0, %arg1, %dma_wait3A_80, %dma_wait3A_81] : memref<2x16x125x80xi32, #tpu.memory_space<hbm>> -> memref<1x1x125x80xi32, #tpu.memory_space<hbm>>
      %dma_wait3A_83 = tpu.memref_squeeze %dma_wait3A_82 : memref<1x1x125x80xi32, #tpu.memory_space<hbm>> -> memref<125x80xi32, #tpu.memory_space<hbm>>
      tpu.wait_dma2 semaphore(%run_scoped3A_67 : memref<!tpu.dma_semaphore, #tpu.memory_space<semaphore_mem>>) src(%dma_wait3A_83 : memref<125x80xi32, #tpu.memory_space<hbm>>) dst(%arg7 : memref<125x80xi32, #tpu.memory_space<vmem>>)
      tpu.yield
    }) : () -> ()
    %dma_start3A = arith.constant 0 : i32
    %dma_start3A_0 = arith.constant 0 : i32
    %dma_start3A_1 = tpu.memref_slice %arg8[%dma_start3A, %dma_start3A_0] : memref<80x128xf32, #tpu.memory_space<vmem>> -> memref<40x128xf32, #tpu.memory_space<vmem>>
    %dma_start3A_2 = arith.constant 0 : i32
    %dma_start3A_3 = tpu.memref_slice %arg6[%dma_start3A_2] : memref<10000xi32, #tpu.memory_space<vmem>> -> memref<40xi32, #tpu.memory_space<vmem>>
    %dma_start3A_4 = arith.constant 0 : i32
    %dma_start3A_5 = arith.constant 0 : i32
    %dma_start3A_6 = tpu.memref_slice %arg2[%dma_start3A_4, %dma_start3A_5] : memref<10240x128xf32, #tpu.memory_space<hbm>> -> memref<10240x128xf32, #tpu.memory_space<hbm>>
    tpu.enqueue_indirect_dma source(%dma_start3A_6 : memref<10240x128xf32, #tpu.memory_space<hbm>>) target(%dma_start3A_1 : memref<40x128xf32, #tpu.memory_space<vmem>>) offsets(%dma_start3A_3 : memref<40xi32, #tpu.memory_space<vmem>>) semaphore(%arg11 : memref<!tpu.dma_semaphore, #tpu.memory_space<semaphore_mem>>)
    %dma_start3A_7 = arith.constant 40 : i32
    %dma_start3A_8 = arith.constant 0 : i32
    %dma_start3A_9 = tpu.memref_slice %arg8[%dma_start3A_7, %dma_start3A_8] : memref<80x128xf32, #tpu.memory_space<vmem>> -> memref<40x128xf32, #tpu.memory_space<vmem>>
    %dma_start3A_10 = arith.constant 40 : i32
    %dma_start3A_11 = tpu.memref_slice %arg6[%dma_start3A_10] : memref<10000xi32, #tpu.memory_space<vmem>> -> memref<40xi32, #tpu.memory_space<vmem>>
    %dma_start3A_12 = arith.constant 0 : i32
    %dma_start3A_13 = arith.constant 0 : i32
    %dma_start3A_14 = tpu.memref_slice %arg2[%dma_start3A_12, %dma_start3A_13] : memref<10240x128xf32, #tpu.memory_space<hbm>> -> memref<10240x128xf32, #tpu.memory_space<hbm>>
    tpu.enqueue_indirect_dma source(%dma_start3A_14 : memref<10240x128xf32, #tpu.memory_space<hbm>>) target(%dma_start3A_9 : memref<40x128xf32, #tpu.memory_space<vmem>>) offsets(%dma_start3A_11 : memref<40xi32, #tpu.memory_space<vmem>>) semaphore(%arg12 : memref<!tpu.dma_semaphore, #tpu.memory_space<semaphore_mem>>)
    %broadcast_in_dim3A = arith.constant 0.000000e+00 : f32
    %broadcast_in_dim3A_15 = vector.broadcast %broadcast_in_dim3A : f32 to vector<16xf32>
    %scan3A = arith.constant 0 : i32
    %scan3A_16 = arith.constant 0 : i32
    %scan3A_17 = arith.constant 80 : i32
    %scan3A_18 = arith.addi %scan3A_16, %scan3A_17 : i32
    %scan3A_19 = arith.constant 1 : i32
    scf.for %scan3A_67 = %scan3A_16 to %scan3A_18 step %scan3A_19  : i32 {
      %swap3A = arith.index_cast %scan3A_67 : i32 to index
      %swap3A_68 = arith.constant 0 : index
      %swap3A_69 = tpu.vector_load %arg9[%swap3A, %swap3A_68] {strides = array<i32>} : memref<80x128xf32, #tpu.memory_space<vmem>>, vector<1x16xf32>,
      %swap3A_70 = vector.shape_cast %swap3A_69 : vector<1x16xf32> to vector<16xf32>
      %swap3A_71 = vector.shape_cast %broadcast_in_dim3A_15 : vector<16xf32> to vector<1x16xf32>
      tpu.vector_store %arg9[%swap3A, %swap3A_68], %swap3A_71 {strides = array<i32>} : memref<80x128xf32, #tpu.memory_space<vmem>>, vector<1x16xf32>,
      %swap3A_72 = arith.index_cast %scan3A_67 : i32 to index
      %swap3A_73 = arith.constant 16 : index
      %swap3A_74 = tpu.vector_load %arg9[%swap3A_72, %swap3A_73] {strides = array<i32>} : memref<80x128xf32, #tpu.memory_space<vmem>>, vector<1x16xf32>,
      %swap3A_75 = vector.shape_cast %swap3A_74 : vector<1x16xf32> to vector<16xf32>
      %swap3A_76 = vector.shape_cast %broadcast_in_dim3A_15 : vector<16xf32> to vector<1x16xf32>
      tpu.vector_store %arg9[%swap3A_72, %swap3A_73], %swap3A_76 {strides = array<i32>} : memref<80x128xf32, #tpu.memory_space<vmem>>, vector<1x16xf32>,
      %swap3A_77 = arith.index_cast %scan3A_67 : i32 to index
      %swap3A_78 = arith.constant 32 : index
      %swap3A_79 = tpu.vector_load %arg9[%swap3A_77, %swap3A_78] {strides = array<i32>} : memref<80x128xf32, #tpu.memory_space<vmem>>, vector<1x16xf32>,
      %swap3A_80 = vector.shape_cast %swap3A_79 : vector<1x16xf32> to vector<16xf32>
      %swap3A_81 = vector.shape_cast %broadcast_in_dim3A_15 : vector<16xf32> to vector<1x16xf32>
      tpu.vector_store %arg9[%swap3A_77, %swap3A_78], %swap3A_81 {strides = array<i32>} : memref<80x128xf32, #tpu.memory_space<vmem>>, vector<1x16xf32>,
      %swap3A_82 = arith.index_cast %scan3A_67 : i32 to index
      %swap3A_83 = arith.constant 48 : index
      %swap3A_84 = tpu.vector_load %arg9[%swap3A_82, %swap3A_83] {strides = array<i32>} : memref<80x128xf32, #tpu.memory_space<vmem>>, vector<1x16xf32>,
      %swap3A_85 = vector.shape_cast %swap3A_84 : vector<1x16xf32> to vector<16xf32>
      %swap3A_86 = vector.shape_cast %broadcast_in_dim3A_15 : vector<16xf32> to vector<1x16xf32>
      tpu.vector_store %arg9[%swap3A_82, %swap3A_83], %swap3A_86 {strides = array<i32>} : memref<80x128xf32, #tpu.memory_space<vmem>>, vector<1x16xf32>,
      %swap3A_87 = arith.index_cast %scan3A_67 : i32 to index
      %swap3A_88 = arith.constant 64 : index
      %swap3A_89 = tpu.vector_load %arg9[%swap3A_87, %swap3A_88] {strides = array<i32>} : memref<80x128xf32, #tpu.memory_space<vmem>>, vector<1x16xf32>,
      %swap3A_90 = vector.shape_cast %swap3A_89 : vector<1x16xf32> to vector<16xf32>
      %swap3A_91 = vector.shape_cast %broadcast_in_dim3A_15 : vector<16xf32> to vector<1x16xf32>
      tpu.vector_store %arg9[%swap3A_87, %swap3A_88], %swap3A_91 {strides = array<i32>} : memref<80x128xf32, #tpu.memory_space<vmem>>, vector<1x16xf32>,
      %swap3A_92 = arith.index_cast %scan3A_67 : i32 to index
      %swap3A_93 = arith.constant 80 : index
      %swap3A_94 = tpu.vector_load %arg9[%swap3A_92, %swap3A_93] {strides = array<i32>} : memref<80x128xf32, #tpu.memory_space<vmem>>, vector<1x16xf32>,
      %swap3A_95 = vector.shape_cast %swap3A_94 : vector<1x16xf32> to vector<16xf32>
      %swap3A_96 = vector.shape_cast %broadcast_in_dim3A_15 : vector<16xf32> to vector<1x16xf32>
      tpu.vector_store %arg9[%swap3A_92, %swap3A_93], %swap3A_96 {strides = array<i32>} : memref<80x128xf32, #tpu.memory_space<vmem>>, vector<1x16xf32>,
      %swap3A_97 = arith.index_cast %scan3A_67 : i32 to index
      %swap3A_98 = arith.constant 96 : index
      %swap3A_99 = tpu.vector_load %arg9[%swap3A_97, %swap3A_98] {strides = array<i32>} : memref<80x128xf32, #tpu.memory_space<vmem>>, vector<1x16xf32>,
      %swap3A_100 = vector.shape_cast %swap3A_99 : vector<1x16xf32> to vector<16xf32>
      %swap3A_101 = vector.shape_cast %broadcast_in_dim3A_15 : vector<16xf32> to vector<1x16xf32>
      tpu.vector_store %arg9[%swap3A_97, %swap3A_98], %swap3A_101 {strides = array<i32>} : memref<80x128xf32, #tpu.memory_space<vmem>>, vector<1x16xf32>,
      %swap3A_102 = arith.index_cast %scan3A_67 : i32 to index
      %swap3A_103 = arith.constant 112 : index
      %swap3A_104 = tpu.vector_load %arg9[%swap3A_102, %swap3A_103] {strides = array<i32>} : memref<80x128xf32, #tpu.memory_space<vmem>>, vector<1x16xf32>,
      %swap3A_105 = vector.shape_cast %swap3A_104 : vector<1x16xf32> to vector<16xf32>
      %swap3A_106 = vector.shape_cast %broadcast_in_dim3A_15 : vector<16xf32> to vector<1x16xf32>
      tpu.vector_store %arg9[%swap3A_102, %swap3A_103], %swap3A_106 {strides = array<i32>} : memref<80x128xf32, #tpu.memory_space<vmem>>, vector<1x16xf32>,
    }
    %scan3A_20 = arith.constant 80 : i32
    %mul3A = arith.constant 640 : i32
    %mul3A_21 = arith.muli %arg1, %mul3A : i32
    %add3A = arith.constant 0 : i32
    %add3A_22 = arith.addi %mul3A_21, %add3A : i32
    "tpu.region"() ({
      %run_scoped3A_67 = tpu.sem_alloc : memref<!tpu.dma_semaphore, #tpu.memory_space<semaphore_mem>>
      %dma_start3A_68 = arith.constant 0 : i32
      %dma_start3A_69 = tpu.memref_slice %arg10[%add3A_22, %dma_start3A_68] : memref<10240x128xf32, #tpu.memory_space<vmem_shared>> -> memref<80x128xf32, #tpu.memory_space<vmem_shared>>
      %dma_start3A_70 = arith.constant 0 : i32
      %dma_start3A_71 = tpu.memref_slice %arg10[%add3A_22, %dma_start3A_70] : memref<10240x128xf32, #tpu.memory_space<vmem_shared>> -> memref<80x128xf32, #tpu.memory_space<vmem_shared>>
      tpu.enqueue_dma source(%arg9 : memref<80x128xf32, #tpu.memory_space<vmem>>) target(%dma_start3A_71 : memref<80x128xf32, #tpu.memory_space<vmem_shared>>) target_semaphore(%run_scoped3A_67 : memref<!tpu.dma_semaphore, #tpu.memory_space<semaphore_mem>>)
      %dma_wait3A_72 = arith.constant 0 : i32
      %dma_wait3A_73 = tpu.memref_slice %arg10[%add3A_22, %dma_wait3A_72] : memref<10240x128xf32, #tpu.memory_space<vmem_shared>> -> memref<80x128xf32, #tpu.memory_space<vmem_shared>>
      %dma_wait3A_74 = arith.constant 0 : i32
      %dma_wait3A_75 = tpu.memref_slice %arg10[%add3A_22, %dma_wait3A_74] : memref<10240x128xf32, #tpu.memory_space<vmem_shared>> -> memref<80x128xf32, #tpu.memory_space<vmem_shared>>
      tpu.wait_dma2 semaphore(%run_scoped3A_67 : memref<!tpu.dma_semaphore, #tpu.memory_space<semaphore_mem>>) src(%arg9 : memref<80x128xf32, #tpu.memory_space<vmem>>) dst(%dma_wait3A_75 : memref<80x128xf32, #tpu.memory_space<vmem_shared>>)
      tpu.yield
    }) : () -> ()
    %add3A_23 = arith.constant 80 : i32
    %add3A_24 = arith.addi %mul3A_21, %add3A_23 : i32
    "tpu.region"() ({
      %run_scoped3A_67 = tpu.sem_alloc : memref<!tpu.dma_semaphore, #tpu.memory_space<semaphore_mem>>
      %dma_start3A_68 = arith.constant 0 : i32
      %dma_start3A_69 = tpu.memref_slice %arg10[%add3A_24, %dma_start3A_68] : memref<10240x128xf32, #tpu.memory_space<vmem_shared>> -> memref<80x128xf32, #tpu.memory_space<vmem_shared>>
      %dma_start3A_70 = arith.constant 0 : i32
      %dma_start3A_71 = tpu.memref_slice %arg10[%add3A_24, %dma_start3A_70] : memref<10240x128xf32, #tpu.memory_space<vmem_shared>> -> memref<80x128xf32, #tpu.memory_space<vmem_shared>>
      tpu.enqueue_dma source(%arg9 : memref<80x128xf32, #tpu.memory_space<vmem>>) target(%dma_start3A_71 : memref<80x128xf32, #tpu.memory_space<vmem_shared>>) target_semaphore(%run_scoped3A_67 : memref<!tpu.dma_semaphore, #tpu.memory_space<semaphore_mem>>)
      %dma_wait3A_72 = arith.constant 0 : i32
      %dma_wait3A_73 = tpu.memref_slice %arg10[%add3A_24, %dma_wait3A_72] : memref<10240x128xf32, #tpu.memory_space<vmem_shared>> -> memref<80x128xf32, #tpu.memory_space<vmem_shared>>
      %dma_wait3A_74 = arith.constant 0 : i32
      %dma_wait3A_75 = tpu.memref_slice %arg10[%add3A_24, %dma_wait3A_74] : memref<10240x128xf32, #tpu.memory_space<vmem_shared>> -> memref<80x128xf32, #tpu.memory_space<vmem_shared>>
      tpu.wait_dma2 semaphore(%run_scoped3A_67 : memref<!tpu.dma_semaphore, #tpu.memory_space<semaphore_mem>>) src(%arg9 : memref<80x128xf32, #tpu.memory_space<vmem>>) dst(%dma_wait3A_75 : memref<80x128xf32, #tpu.memory_space<vmem_shared>>)
      tpu.yield
    }) : () -> ()
    %add3A_25 = arith.constant 160 : i32
    %add3A_26 = arith.addi %mul3A_21, %add3A_25 : i32
    "tpu.region"() ({
      %run_scoped3A_67 = tpu.sem_alloc : memref<!tpu.dma_semaphore, #tpu.memory_space<semaphore_mem>>
      %dma_start3A_68 = arith.constant 0 : i32
      %dma_start3A_69 = tpu.memref_slice %arg10[%add3A_26, %dma_start3A_68] : memref<10240x128xf32, #tpu.memory_space<vmem_shared>> -> memref<80x128xf32, #tpu.memory_space<vmem_shared>>
      %dma_start3A_70 = arith.constant 0 : i32
      %dma_start3A_71 = tpu.memref_slice %arg10[%add3A_26, %dma_start3A_70] : memref<10240x128xf32, #tpu.memory_space<vmem_shared>> -> memref<80x128xf32, #tpu.memory_space<vmem_shared>>
      tpu.enqueue_dma source(%arg9 : memref<80x128xf32, #tpu.memory_space<vmem>>) target(%dma_start3A_71 : memref<80x128xf32, #tpu.memory_space<vmem_shared>>) target_semaphore(%run_scoped3A_67 : memref<!tpu.dma_semaphore, #tpu.memory_space<semaphore_mem>>)
      %dma_wait3A_72 = arith.constant 0 : i32
      %dma_wait3A_73 = tpu.memref_slice %arg10[%add3A_26, %dma_wait3A_72] : memref<10240x128xf32, #tpu.memory_space<vmem_shared>> -> memref<80x128xf32, #tpu.memory_space<vmem_shared>>
      %dma_wait3A_74 = arith.constant 0 : i32
      %dma_wait3A_75 = tpu.memref_slice %arg10[%add3A_26, %dma_wait3A_74] : memref<10240x128xf32, #tpu.memory_space<vmem_shared>> -> memref<80x128xf32, #tpu.memory_space<vmem_shared>>
      tpu.wait_dma2 semaphore(%run_scoped3A_67 : memref<!tpu.dma_semaphore, #tpu.memory_space<semaphore_mem>>) src(%arg9 : memref<80x128xf32, #tpu.memory_space<vmem>>) dst(%dma_wait3A_75 : memref<80x128xf32, #tpu.memory_space<vmem_shared>>)
      tpu.yield
    }) : () -> ()
    %add3A_27 = arith.constant 240 : i32
    %add3A_28 = arith.addi %mul3A_21, %add3A_27 : i32
    "tpu.region"() ({
      %run_scoped3A_67 = tpu.sem_alloc : memref<!tpu.dma_semaphore, #tpu.memory_space<semaphore_mem>>
      %dma_start3A_68 = arith.constant 0 : i32
      %dma_start3A_69 = tpu.memref_slice %arg10[%add3A_28, %dma_start3A_68] : memref<10240x128xf32, #tpu.memory_space<vmem_shared>> -> memref<80x128xf32, #tpu.memory_space<vmem_shared>>
      %dma_start3A_70 = arith.constant 0 : i32
      %dma_start3A_71 = tpu.memref_slice %arg10[%add3A_28, %dma_start3A_70] : memref<10240x128xf32, #tpu.memory_space<vmem_shared>> -> memref<80x128xf32, #tpu.memory_space<vmem_shared>>
      tpu.enqueue_dma source(%arg9 : memref<80x128xf32, #tpu.memory_space<vmem>>) target(%dma_start3A_71 : memref<80x128xf32, #tpu.memory_space<vmem_shared>>) target_semaphore(%run_scoped3A_67 : memref<!tpu.dma_semaphore, #tpu.memory_space<semaphore_mem>>)
      %dma_wait3A_72 = arith.constant 0 : i32
      %dma_wait3A_73 = tpu.memref_slice %arg10[%add3A_28, %dma_wait3A_72] : memref<10240x128xf32, #tpu.memory_space<vmem_shared>> -> memref<80x128xf32, #tpu.memory_space<vmem_shared>>
      %dma_wait3A_74 = arith.constant 0 : i32
      %dma_wait3A_75 = tpu.memref_slice %arg10[%add3A_28, %dma_wait3A_74] : memref<10240x128xf32, #tpu.memory_space<vmem_shared>> -> memref<80x128xf32, #tpu.memory_space<vmem_shared>>
      tpu.wait_dma2 semaphore(%run_scoped3A_67 : memref<!tpu.dma_semaphore, #tpu.memory_space<semaphore_mem>>) src(%arg9 : memref<80x128xf32, #tpu.memory_space<vmem>>) dst(%dma_wait3A_75 : memref<80x128xf32, #tpu.memory_space<vmem_shared>>)
      tpu.yield
    }) : () -> ()
    %add3A_29 = arith.constant 320 : i32
    %add3A_30 = arith.addi %mul3A_21, %add3A_29 : i32
    "tpu.region"() ({
      %run_scoped3A_67 = tpu.sem_alloc : memref<!tpu.dma_semaphore, #tpu.memory_space<semaphore_mem>>
      %dma_start3A_68 = arith.constant 0 : i32
      %dma_start3A_69 = tpu.memref_slice %arg10[%add3A_30, %dma_start3A_68] : memref<10240x128xf32, #tpu.memory_space<vmem_shared>> -> memref<80x128xf32, #tpu.memory_space<vmem_shared>>
      %dma_start3A_70 = arith.constant 0 : i32
      %dma_start3A_71 = tpu.memref_slice %arg10[%add3A_30, %dma_start3A_70] : memref<10240x128xf32, #tpu.memory_space<vmem_shared>> -> memref<80x128xf32, #tpu.memory_space<vmem_shared>>
      tpu.enqueue_dma source(%arg9 : memref<80x128xf32, #tpu.memory_space<vmem>>) target(%dma_start3A_71 : memref<80x128xf32, #tpu.memory_space<vmem_shared>>) target_semaphore(%run_scoped3A_67 : memref<!tpu.dma_semaphore, #tpu.memory_space<semaphore_mem>>)
      %dma_wait3A_72 = arith.constant 0 : i32
      %dma_wait3A_73 = tpu.memref_slice %arg10[%add3A_30, %dma_wait3A_72] : memref<10240x128xf32, #tpu.memory_space<vmem_shared>> -> memref<80x128xf32, #tpu.memory_space<vmem_shared>>
      %dma_wait3A_74 = arith.constant 0 : i32
      %dma_wait3A_75 = tpu.memref_slice %arg10[%add3A_30, %dma_wait3A_74] : memref<10240x128xf32, #tpu.memory_space<vmem_shared>> -> memref<80x128xf32, #tpu.memory_space<vmem_shared>>
      tpu.wait_dma2 semaphore(%run_scoped3A_67 : memref<!tpu.dma_semaphore, #tpu.memory_space<semaphore_mem>>) src(%arg9 : memref<80x128xf32, #tpu.memory_space<vmem>>) dst(%dma_wait3A_75 : memref<80x128xf32, #tpu.memory_space<vmem_shared>>)
      tpu.yield
    }) : () -> ()
    %add3A_31 = arith.constant 400 : i32
    %add3A_32 = arith.addi %mul3A_21, %add3A_31 : i32
    "tpu.region"() ({
      %run_scoped3A_67 = tpu.sem_alloc : memref<!tpu.dma_semaphore, #tpu.memory_space<semaphore_mem>>
      %dma_start3A_68 = arith.constant 0 : i32
      %dma_start3A_69 = tpu.memref_slice %arg10[%add3A_32, %dma_start3A_68] : memref<10240x128xf32, #tpu.memory_space<vmem_shared>> -> memref<80x128xf32, #tpu.memory_space<vmem_shared>>
      %dma_start3A_70 = arith.constant 0 : i32
      %dma_start3A_71 = tpu.memref_slice %arg10[%add3A_32, %dma_start3A_70] : memref<10240x128xf32, #tpu.memory_space<vmem_shared>> -> memref<80x128xf32, #tpu.memory_space<vmem_shared>>
      tpu.enqueue_dma source(%arg9 : memref<80x128xf32, #tpu.memory_space<vmem>>) target(%dma_start3A_71 : memref<80x128xf32, #tpu.memory_space<vmem_shared>>) target_semaphore(%run_scoped3A_67 : memref<!tpu.dma_semaphore, #tpu.memory_space<semaphore_mem>>)
      %dma_wait3A_72 = arith.constant 0 : i32
      %dma_wait3A_73 = tpu.memref_slice %arg10[%add3A_32, %dma_wait3A_72] : memref<10240x128xf32, #tpu.memory_space<vmem_shared>> -> memref<80x128xf32, #tpu.memory_space<vmem_shared>>
      %dma_wait3A_74 = arith.constant 0 : i32
      %dma_wait3A_75 = tpu.memref_slice %arg10[%add3A_32, %dma_wait3A_74] : memref<10240x128xf32, #tpu.memory_space<vmem_shared>> -> memref<80x128xf32, #tpu.memory_space<vmem_shared>>
      tpu.wait_dma2 semaphore(%run_scoped3A_67 : memref<!tpu.dma_semaphore, #tpu.memory_space<semaphore_mem>>) src(%arg9 : memref<80x128xf32, #tpu.memory_space<vmem>>) dst(%dma_wait3A_75 : memref<80x128xf32, #tpu.memory_space<vmem_shared>>)
      tpu.yield
    }) : () -> ()
    %add3A_33 = arith.constant 480 : i32
    %add3A_34 = arith.addi %mul3A_21, %add3A_33 : i32
    "tpu.region"() ({
      %run_scoped3A_67 = tpu.sem_alloc : memref<!tpu.dma_semaphore, #tpu.memory_space<semaphore_mem>>
      %dma_start3A_68 = arith.constant 0 : i32
      %dma_start3A_69 = tpu.memref_slice %arg10[%add3A_34, %dma_start3A_68] : memref<10240x128xf32, #tpu.memory_space<vmem_shared>> -> memref<80x128xf32, #tpu.memory_space<vmem_shared>>
      %dma_start3A_70 = arith.constant 0 : i32
      %dma_start3A_71 = tpu.memref_slice %arg10[%add3A_34, %dma_start3A_70] : memref<10240x128xf32, #tpu.memory_space<vmem_shared>> -> memref<80x128xf32, #tpu.memory_space<vmem_shared>>
      tpu.enqueue_dma source(%arg9 : memref<80x128xf32, #tpu.memory_space<vmem>>) target(%dma_start3A_71 : memref<80x128xf32, #tpu.memory_space<vmem_shared>>) target_semaphore(%run_scoped3A_67 : memref<!tpu.dma_semaphore, #tpu.memory_space<semaphore_mem>>)
      %dma_wait3A_72 = arith.constant 0 : i32
      %dma_wait3A_73 = tpu.memref_slice %arg10[%add3A_34, %dma_wait3A_72] : memref<10240x128xf32, #tpu.memory_space<vmem_shared>> -> memref<80x128xf32, #tpu.memory_space<vmem_shared>>
      %dma_wait3A_74 = arith.constant 0 : i32
      %dma_wait3A_75 = tpu.memref_slice %arg10[%add3A_34, %dma_wait3A_74] : memref<10240x128xf32, #tpu.memory_space<vmem_shared>> -> memref<80x128xf32, #tpu.memory_space<vmem_shared>>
      tpu.wait_dma2 semaphore(%run_scoped3A_67 : memref<!tpu.dma_semaphore, #tpu.memory_space<semaphore_mem>>) src(%arg9 : memref<80x128xf32, #tpu.memory_space<vmem>>) dst(%dma_wait3A_75 : memref<80x128xf32, #tpu.memory_space<vmem_shared>>)
      tpu.yield
    }) : () -> ()
    %add3A_35 = arith.constant 560 : i32
    %add3A_36 = arith.addi %mul3A_21, %add3A_35 : i32
    "tpu.region"() ({
      %run_scoped3A_67 = tpu.sem_alloc : memref<!tpu.dma_semaphore, #tpu.memory_space<semaphore_mem>>
      %dma_start3A_68 = arith.constant 0 : i32
      %dma_start3A_69 = tpu.memref_slice %arg10[%add3A_36, %dma_start3A_68] : memref<10240x128xf32, #tpu.memory_space<vmem_shared>> -> memref<80x128xf32, #tpu.memory_space<vmem_shared>>
      %dma_start3A_70 = arith.constant 0 : i32
      %dma_start3A_71 = tpu.memref_slice %arg10[%add3A_36, %dma_start3A_70] : memref<10240x128xf32, #tpu.memory_space<vmem_shared>> -> memref<80x128xf32, #tpu.memory_space<vmem_shared>>
      tpu.enqueue_dma source(%arg9 : memref<80x128xf32, #tpu.memory_space<vmem>>) target(%dma_start3A_71 : memref<80x128xf32, #tpu.memory_space<vmem_shared>>) target_semaphore(%run_scoped3A_67 : memref<!tpu.dma_semaphore, #tpu.memory_space<semaphore_mem>>)
      %dma_wait3A_72 = arith.constant 0 : i32
      %dma_wait3A_73 = tpu.memref_slice %arg10[%add3A_36, %dma_wait3A_72] : memref<10240x128xf32, #tpu.memory_space<vmem_shared>> -> memref<80x128xf32, #tpu.memory_space<vmem_shared>>
      %dma_wait3A_74 = arith.constant 0 : i32
      %dma_wait3A_75 = tpu.memref_slice %arg10[%add3A_36, %dma_wait3A_74] : memref<10240x128xf32, #tpu.memory_space<vmem_shared>> -> memref<80x128xf32, #tpu.memory_space<vmem_shared>>
      tpu.wait_dma2 semaphore(%run_scoped3A_67 : memref<!tpu.dma_semaphore, #tpu.memory_space<semaphore_mem>>) src(%arg9 : memref<80x128xf32, #tpu.memory_space<vmem>>) dst(%dma_wait3A_75 : memref<80x128xf32, #tpu.memory_space<vmem_shared>>)
      tpu.yield
    }) : () -> ()
    %barrier3A = arith.constant 0 : index
    tpu.barrier barrier_id(%barrier3A)
    %scan3A_37 = arith.constant 0 : i32
    %scan3A_38 = arith.constant 0 : i32
    %scan3A_39 = arith.constant 62 : i32
    %scan3A_40 = arith.addi %scan3A_38, %scan3A_39 : i32
    %scan3A_41 = arith.constant 1 : i32
    scf.for %scan3A_67 = %scan3A_38 to %scan3A_40 step %scan3A_41  : i32 {
      %mul3A_68 = arith.constant 2 : i32
      %mul3A_69 = arith.muli %mul3A_68, %scan3A_67 : i32
      %dma_wait3A_70 = arith.constant 0 : i32
      %dma_wait3A_71 = arith.constant 0 : i32
      %dma_wait3A_72 = tpu.memref_slice %arg8[%dma_wait3A_70, %dma_wait3A_71] : memref<80x128xf32, #tpu.memory_space<vmem>> -> memref<40x128xf32, #tpu.memory_space<vmem>>
      %dma_wait3A_73 = arith.constant 0 : i32
      %dma_wait3A_74 = arith.constant 0 : i32
      %dma_wait3A_75 = tpu.memref_slice %arg2[%dma_wait3A_73, %dma_wait3A_74] : memref<10240x128xf32, #tpu.memory_space<hbm>> -> memref<40x128xf32, #tpu.memory_space<hbm>>
      %dma_wait3A_76 = arith.constant 0 : i32
      %dma_wait3A_77 = arith.constant 0 : i32
      %dma_wait3A_78 = tpu.memref_slice %arg8[%dma_wait3A_76, %dma_wait3A_77] : memref<80x128xf32, #tpu.memory_space<vmem>> -> memref<40x128xf32, #tpu.memory_space<vmem>>
      %dma_wait3A_79 = arith.constant 0 : i32
      %dma_wait3A_80 = arith.constant 0 : i32
      %dma_wait3A_81 = tpu.memref_slice %arg2[%dma_wait3A_79, %dma_wait3A_80] : memref<10240x128xf32, #tpu.memory_space<hbm>> -> memref<40x128xf32, #tpu.memory_space<hbm>>
      tpu.wait_dma2 semaphore(%arg11 : memref<!tpu.dma_semaphore, #tpu.memory_space<semaphore_mem>>) src(%dma_wait3A_81 : memref<40x128xf32, #tpu.memory_space<hbm>>) dst(%dma_wait3A_78 : memref<40x128xf32, #tpu.memory_space<vmem>>)
      %dma_wait3A_82 = arith.constant 40 : i32
      %dma_wait3A_83 = arith.constant 0 : i32
      %dma_wait3A_84 = tpu.memref_slice %arg8[%dma_wait3A_82, %dma_wait3A_83] : memref<80x128xf32, #tpu.memory_space<vmem>> -> memref<40x128xf32, #tpu.memory_space<vmem>>
      %dma_wait3A_85 = arith.constant 0 : i32
      %dma_wait3A_86 = arith.constant 0 : i32
      %dma_wait3A_87 = tpu.memref_slice %arg2[%dma_wait3A_85, %dma_wait3A_86] : memref<10240x128xf32, #tpu.memory_space<hbm>> -> memref<40x128xf32, #tpu.memory_space<hbm>>
      %dma_wait3A_88 = arith.constant 40 : i32
      %dma_wait3A_89 = arith.constant 0 : i32
      %dma_wait3A_90 = tpu.memref_slice %arg8[%dma_wait3A_88, %dma_wait3A_89] : memref<80x128xf32, #tpu.memory_space<vmem>> -> memref<40x128xf32, #tpu.memory_space<vmem>>
      %dma_wait3A_91 = arith.constant 0 : i32
      %dma_wait3A_92 = arith.constant 0 : i32
      %dma_wait3A_93 = tpu.memref_slice %arg2[%dma_wait3A_91, %dma_wait3A_92] : memref<10240x128xf32, #tpu.memory_space<hbm>> -> memref<40x128xf32, #tpu.memory_space<hbm>>
      tpu.wait_dma2 semaphore(%arg12 : memref<!tpu.dma_semaphore, #tpu.memory_space<semaphore_mem>>) src(%dma_wait3A_93 : memref<40x128xf32, #tpu.memory_space<hbm>>) dst(%dma_wait3A_90 : memref<40x128xf32, #tpu.memory_space<vmem>>)
      %add3A_94 = arith.constant 1 : i32
      %add3A_95 = arith.addi %mul3A_69, %add3A_94 : i32
      %mul3A_96 = arith.constant 80 : i32
      %mul3A_97 = arith.muli %add3A_95, %mul3A_96 : i32
      %dma_start3A_98 = arith.constant 0 : i32
      %dma_start3A_99 = arith.constant 0 : i32
      %dma_start3A_100 = tpu.memref_slice %arg9[%dma_start3A_98, %dma_start3A_99] : memref<80x128xf32, #tpu.memory_space<vmem>> -> memref<40x128xf32, #tpu.memory_space<vmem>>
      %dma_start3A_101 = tpu.memref_slice %arg6[%mul3A_97] : memref<10000xi32, #tpu.memory_space<vmem>> -> memref<40xi32, #tpu.memory_space<vmem>>
      %dma_start3A_102 = arith.constant 0 : i32
      %dma_start3A_103 = arith.constant 0 : i32
      %dma_start3A_104 = tpu.memref_slice %arg2[%dma_start3A_102, %dma_start3A_103] : memref<10240x128xf32, #tpu.memory_space<hbm>> -> memref<10240x128xf32, #tpu.memory_space<hbm>>
      tpu.enqueue_indirect_dma source(%dma_start3A_104 : memref<10240x128xf32, #tpu.memory_space<hbm>>) target(%dma_start3A_100 : memref<40x128xf32, #tpu.memory_space<vmem>>) offsets(%dma_start3A_101 : memref<40xi32, #tpu.memory_space<vmem>>) semaphore(%arg13 : memref<!tpu.dma_semaphore, #tpu.memory_space<semaphore_mem>>)
      %mul3A_105 = arith.constant 80 : i32
      %mul3A_106 = arith.muli %add3A_95, %mul3A_105 : i32
      %add3A_107 = arith.constant 40 : i32
      %add3A_108 = arith.addi %mul3A_106, %add3A_107 : i32
      %dma_start3A_109 = arith.constant 40 : i32
      %dma_start3A_110 = arith.constant 0 : i32
      %dma_start3A_111 = tpu.memref_slice %arg9[%dma_start3A_109, %dma_start3A_110] : memref<80x128xf32, #tpu.memory_space<vmem>> -> memref<40x128xf32, #tpu.memory_space<vmem>>
      %dma_start3A_112 = tpu.memref_slice %arg6[%add3A_108] : memref<10000xi32, #tpu.memory_space<vmem>> -> memref<40xi32, #tpu.memory_space<vmem>>
      %dma_start3A_113 = arith.constant 0 : i32
      %dma_start3A_114 = arith.constant 0 : i32
      %dma_start3A_115 = tpu.memref_slice %arg2[%dma_start3A_113, %dma_start3A_114] : memref<10240x128xf32, #tpu.memory_space<hbm>> -> memref<10240x128xf32, #tpu.memory_space<hbm>>
      tpu.enqueue_indirect_dma source(%dma_start3A_115 : memref<10240x128xf32, #tpu.memory_space<hbm>>) target(%dma_start3A_111 : memref<40x128xf32, #tpu.memory_space<vmem>>) offsets(%dma_start3A_112 : memref<40xi32, #tpu.memory_space<vmem>>) semaphore(%arg14 : memref<!tpu.dma_semaphore, #tpu.memory_space<semaphore_mem>>)
      "tpu.region"() ({
        %run_scoped3A_164 = tpu.sem_alloc : memref<!tpu.dma_semaphore, #tpu.memory_space<semaphore_mem>>
        %dma_start3A_165 = arith.constant 0 : i32
        %dma_start3A_166 = tpu.memref_slice %arg7[%mul3A_69, %dma_start3A_165] : memref<125x80xi32, #tpu.memory_space<vmem>> -> memref<1x80xi32, #tpu.memory_space<vmem>>
        %dma_start3A_167 = tpu.memref_squeeze %dma_start3A_166 : memref<1x80xi32, #tpu.memory_space<vmem>> -> memref<80xi32, #tpu.memory_space<vmem>>
        %dma_start3A_168 = arith.constant 0 : i32
        %dma_start3A_169 = arith.constant 0 : i32
        %dma_start3A_170 = tpu.memref_slice %arg10[%dma_start3A_168, %dma_start3A_169] : memref<10240x128xf32, #tpu.memory_space<vmem_shared>> -> memref<10240x128xf32, #tpu.memory_space<vmem_shared>>
        tpu.enqueue_indirect_dma source(%arg8 : memref<80x128xf32, #tpu.memory_space<vmem>>) target(%dma_start3A_170 : memref<10240x128xf32, #tpu.memory_space<vmem_shared>>) offsets(%dma_start3A_167 : memref<80xi32, #tpu.memory_space<vmem>>) semaphore(%run_scoped3A_164 : memref<!tpu.dma_semaphore, #tpu.memory_space<semaphore_mem>>) {add = true}
        %dma_wait3A_171 = arith.constant 0 : i32
        %dma_wait3A_172 = tpu.memref_slice %arg7[%mul3A_69, %dma_wait3A_171] : memref<125x80xi32, #tpu.memory_space<vmem>> -> memref<1x80xi32, #tpu.memory_space<vmem>>
        %dma_wait3A_173 = tpu.memref_squeeze %dma_wait3A_172 : memref<1x80xi32, #tpu.memory_space<vmem>> -> memref<80xi32, #tpu.memory_space<vmem>>
        %dma_wait3A_174 = arith.constant 0 : i32
        %dma_wait3A_175 = arith.constant 0 : i32
        %dma_wait3A_176 = tpu.memref_slice %arg10[%dma_wait3A_174, %dma_wait3A_175] : memref<10240x128xf32, #tpu.memory_space<vmem_shared>> -> memref<10240x128xf32, #tpu.memory_space<vmem_shared>>
        tpu.wait_indirect_dma semaphore(%run_scoped3A_164 : memref<!tpu.dma_semaphore, #tpu.memory_space<semaphore_mem>>) src(%arg8 : memref<80x128xf32, #tpu.memory_space<vmem>>) dst(%dma_wait3A_176 : memref<10240x128xf32, #tpu.memory_space<vmem_shared>>)
        tpu.yield
      }) : () -> ()
      %dma_wait3A_116 = arith.constant 0 : i32
      %dma_wait3A_117 = arith.constant 0 : i32
      %dma_wait3A_118 = tpu.memref_slice %arg9[%dma_wait3A_116, %dma_wait3A_117] : memref<80x128xf32, #tpu.memory_space<vmem>> -> memref<40x128xf32, #tpu.memory_space<vmem>>
      %dma_wait3A_119 = arith.constant 0 : i32
      %dma_wait3A_120 = arith.constant 0 : i32
      %dma_wait3A_121 = tpu.memref_slice %arg2[%dma_wait3A_119, %dma_wait3A_120] : memref<10240x128xf32, #tpu.memory_space<hbm>> -> memref<40x128xf32, #tpu.memory_space<hbm>>
      %dma_wait3A_122 = arith.constant 0 : i32
      %dma_wait3A_123 = arith.constant 0 : i32
      %dma_wait3A_124 = tpu.memref_slice %arg9[%dma_wait3A_122, %dma_wait3A_123] : memref<80x128xf32, #tpu.memory_space<vmem>> -> memref<40x128xf32, #tpu.memory_space<vmem>>
      %dma_wait3A_125 = arith.constant 0 : i32
      %dma_wait3A_126 = arith.constant 0 : i32
      %dma_wait3A_127 = tpu.memref_slice %arg2[%dma_wait3A_125, %dma_wait3A_126] : memref<10240x128xf32, #tpu.memory_space<hbm>> -> memref<40x128xf32, #tpu.memory_space<hbm>>
      tpu.wait_dma2 semaphore(%arg13 : memref<!tpu.dma_semaphore, #tpu.memory_space<semaphore_mem>>) src(%dma_wait3A_127 : memref<40x128xf32, #tpu.memory_space<hbm>>) dst(%dma_wait3A_124 : memref<40x128xf32, #tpu.memory_space<vmem>>)
      %dma_wait3A_128 = arith.constant 40 : i32
      %dma_wait3A_129 = arith.constant 0 : i32
      %dma_wait3A_130 = tpu.memref_slice %arg9[%dma_wait3A_128, %dma_wait3A_129] : memref<80x128xf32, #tpu.memory_space<vmem>> -> memref<40x128xf32, #tpu.memory_space<vmem>>
      %dma_wait3A_131 = arith.constant 0 : i32
      %dma_wait3A_132 = arith.constant 0 : i32
      %dma_wait3A_133 = tpu.memref_slice %arg2[%dma_wait3A_131, %dma_wait3A_132] : memref<10240x128xf32, #tpu.memory_space<hbm>> -> memref<40x128xf32, #tpu.memory_space<hbm>>
      %dma_wait3A_134 = arith.constant 40 : i32
      %dma_wait3A_135 = arith.constant 0 : i32
      %dma_wait3A_136 = tpu.memref_slice %arg9[%dma_wait3A_134, %dma_wait3A_135] : memref<80x128xf32, #tpu.memory_space<vmem>> -> memref<40x128xf32, #tpu.memory_space<vmem>>
      %dma_wait3A_137 = arith.constant 0 : i32
      %dma_wait3A_138 = arith.constant 0 : i32
      %dma_wait3A_139 = tpu.memref_slice %arg2[%dma_wait3A_137, %dma_wait3A_138] : memref<10240x128xf32, #tpu.memory_space<hbm>> -> memref<40x128xf32, #tpu.memory_space<hbm>>
      tpu.wait_dma2 semaphore(%arg14 : memref<!tpu.dma_semaphore, #tpu.memory_space<semaphore_mem>>) src(%dma_wait3A_139 : memref<40x128xf32, #tpu.memory_space<hbm>>) dst(%dma_wait3A_136 : memref<40x128xf32, #tpu.memory_space<vmem>>)
      %add3A_140 = arith.constant 2 : i32
      %add3A_141 = arith.addi %mul3A_69, %add3A_140 : i32
      %mul3A_142 = arith.constant 80 : i32
      %mul3A_143 = arith.muli %add3A_141, %mul3A_142 : i32
      %dma_start3A_144 = arith.constant 0 : i32
      %dma_start3A_145 = arith.constant 0 : i32
      %dma_start3A_146 = tpu.memref_slice %arg8[%dma_start3A_144, %dma_start3A_145] : memref<80x128xf32, #tpu.memory_space<vmem>> -> memref<40x128xf32, #tpu.memory_space<vmem>>
      %dma_start3A_147 = tpu.memref_slice %arg6[%mul3A_143] : memref<10000xi32, #tpu.memory_space<vmem>> -> memref<40xi32, #tpu.memory_space<vmem>>
      %dma_start3A_148 = arith.constant 0 : i32
      %dma_start3A_149 = arith.constant 0 : i32
      %dma_start3A_150 = tpu.memref_slice %arg2[%dma_start3A_148, %dma_start3A_149] : memref<10240x128xf32, #tpu.memory_space<hbm>> -> memref<10240x128xf32, #tpu.memory_space<hbm>>
      tpu.enqueue_indirect_dma source(%dma_start3A_150 : memref<10240x128xf32, #tpu.memory_space<hbm>>) target(%dma_start3A_146 : memref<40x128xf32, #tpu.memory_space<vmem>>) offsets(%dma_start3A_147 : memref<40xi32, #tpu.memory_space<vmem>>) semaphore(%arg11 : memref<!tpu.dma_semaphore, #tpu.memory_space<semaphore_mem>>)
      %mul3A_151 = arith.constant 80 : i32
      %mul3A_152 = arith.muli %add3A_141, %mul3A_151 : i32
      %add3A_153 = arith.constant 40 : i32
      %add3A_154 = arith.addi %mul3A_152, %add3A_153 : i32
      %dma_start3A_155 = arith.constant 40 : i32
      %dma_start3A_156 = arith.constant 0 : i32
      %dma_start3A_157 = tpu.memref_slice %arg8[%dma_start3A_155, %dma_start3A_156] : memref<80x128xf32, #tpu.memory_space<vmem>> -> memref<40x128xf32, #tpu.memory_space<vmem>>
      %dma_start3A_158 = tpu.memref_slice %arg6[%add3A_154] : memref<10000xi32, #tpu.memory_space<vmem>> -> memref<40xi32, #tpu.memory_space<vmem>>
      %dma_start3A_159 = arith.constant 0 : i32
      %dma_start3A_160 = arith.constant 0 : i32
      %dma_start3A_161 = tpu.memref_slice %arg2[%dma_start3A_159, %dma_start3A_160] : memref<10240x128xf32, #tpu.memory_space<hbm>> -> memref<10240x128xf32, #tpu.memory_space<hbm>>
      tpu.enqueue_indirect_dma source(%dma_start3A_161 : memref<10240x128xf32, #tpu.memory_space<hbm>>) target(%dma_start3A_157 : memref<40x128xf32, #tpu.memory_space<vmem>>) offsets(%dma_start3A_158 : memref<40xi32, #tpu.memory_space<vmem>>) semaphore(%arg12 : memref<!tpu.dma_semaphore, #tpu.memory_space<semaphore_mem>>)
      %add3A_162 = arith.constant 1 : i32
      %add3A_163 = arith.addi %mul3A_69, %add3A_162 : i32
      "tpu.region"() ({
        %run_scoped3A_164 = tpu.sem_alloc : memref<!tpu.dma_semaphore, #tpu.memory_space<semaphore_mem>>
        %dma_start3A_165 = arith.constant 0 : i32
        %dma_start3A_166 = tpu.memref_slice %arg7[%add3A_163, %dma_start3A_165] : memref<125x80xi32, #tpu.memory_space<vmem>> -> memref<1x80xi32, #tpu.memory_space<vmem>>
        %dma_start3A_167 = tpu.memref_squeeze %dma_start3A_166 : memref<1x80xi32, #tpu.memory_space<vmem>> -> memref<80xi32, #tpu.memory_space<vmem>>
        %dma_start3A_168 = arith.constant 0 : i32
        %dma_start3A_169 = arith.constant 0 : i32
        %dma_start3A_170 = tpu.memref_slice %arg10[%dma_start3A_168, %dma_start3A_169] : memref<10240x128xf32, #tpu.memory_space<vmem_shared>> -> memref<10240x128xf32, #tpu.memory_space<vmem_shared>>
        tpu.enqueue_indirect_dma source(%arg9 : memref<80x128xf32, #tpu.memory_space<vmem>>) target(%dma_start3A_170 : memref<10240x128xf32, #tpu.memory_space<vmem_shared>>) offsets(%dma_start3A_167 : memref<80xi32, #tpu.memory_space<vmem>>) semaphore(%run_scoped3A_164 : memref<!tpu.dma_semaphore, #tpu.memory_space<semaphore_mem>>) {add = true}
        %dma_wait3A_171 = arith.constant 0 : i32
        %dma_wait3A_172 = tpu.memref_slice %arg7[%add3A_163, %dma_wait3A_171] : memref<125x80xi32, #tpu.memory_space<vmem>> -> memref<1x80xi32, #tpu.memory_space<vmem>>
        %dma_wait3A_173 = tpu.memref_squeeze %dma_wait3A_172 : memref<1x80xi32, #tpu.memory_space<vmem>> -> memref<80xi32, #tpu.memory_space<vmem>>
        %dma_wait3A_174 = arith.constant 0 : i32
        %dma_wait3A_175 = arith.constant 0 : i32
        %dma_wait3A_176 = tpu.memref_slice %arg10[%dma_wait3A_174, %dma_wait3A_175] : memref<10240x128xf32, #tpu.memory_space<vmem_shared>> -> memref<10240x128xf32, #tpu.memory_space<vmem_shared>>
        tpu.wait_indirect_dma semaphore(%run_scoped3A_164 : memref<!tpu.dma_semaphore, #tpu.memory_space<semaphore_mem>>) src(%arg9 : memref<80x128xf32, #tpu.memory_space<vmem>>) dst(%dma_wait3A_176 : memref<10240x128xf32, #tpu.memory_space<vmem_shared>>)
        tpu.yield
      }) : () -> ()
    }
    %scan3A_42 = arith.constant 62 : i32
    %dma_wait3A = arith.constant 0 : i32
    %dma_wait3A_43 = arith.constant 0 : i32
    %dma_wait3A_44 = tpu.memref_slice %arg8[%dma_wait3A, %dma_wait3A_43] : memref<80x128xf32, #tpu.memory_space<vmem>> -> memref<40x128xf32, #tpu.memory_space<vmem>>
    %dma_wait3A_45 = arith.constant 0 : i32
    %dma_wait3A_46 = arith.constant 0 : i32
    %dma_wait3A_47 = tpu.memref_slice %arg2[%dma_wait3A_45, %dma_wait3A_46] : memref<10240x128xf32, #tpu.memory_space<hbm>> -> memref<40x128xf32, #tpu.memory_space<hbm>>
    %dma_wait3A_48 = arith.constant 0 : i32
    %dma_wait3A_49 = arith.constant 0 : i32
    %dma_wait3A_50 = tpu.memref_slice %arg8[%dma_wait3A_48, %dma_wait3A_49] : memref<80x128xf32, #tpu.memory_space<vmem>> -> memref<40x128xf32, #tpu.memory_space<vmem>>
    %dma_wait3A_51 = arith.constant 0 : i32
    %dma_wait3A_52 = arith.constant 0 : i32
    %dma_wait3A_53 = tpu.memref_slice %arg2[%dma_wait3A_51, %dma_wait3A_52] : memref<10240x128xf32, #tpu.memory_space<hbm>> -> memref<40x128xf32, #tpu.memory_space<hbm>>
    tpu.wait_dma2 semaphore(%arg11 : memref<!tpu.dma_semaphore, #tpu.memory_space<semaphore_mem>>) src(%dma_wait3A_53 : memref<40x128xf32, #tpu.memory_space<hbm>>) dst(%dma_wait3A_50 : memref<40x128xf32, #tpu.memory_space<vmem>>)
    %dma_wait3A_54 = arith.constant 40 : i32
    %dma_wait3A_55 = arith.constant 0 : i32
    %dma_wait3A_56 = tpu.memref_slice %arg8[%dma_wait3A_54, %dma_wait3A_55] : memref<80x128xf32, #tpu.memory_space<vmem>> -> memref<40x128xf32, #tpu.memory_space<vmem>>
    %dma_wait3A_57 = arith.constant 0 : i32
    %dma_wait3A_58 = arith.constant 0 : i32
    %dma_wait3A_59 = tpu.memref_slice %arg2[%dma_wait3A_57, %dma_wait3A_58] : memref<10240x128xf32, #tpu.memory_space<hbm>> -> memref<40x128xf32, #tpu.memory_space<hbm>>
    %dma_wait3A_60 = arith.constant 40 : i32
    %dma_wait3A_61 = arith.constant 0 : i32
    %dma_wait3A_62 = tpu.memref_slice %arg8[%dma_wait3A_60, %dma_wait3A_61] : memref<80x128xf32, #tpu.memory_space<vmem>> -> memref<40x128xf32, #tpu.memory_space<vmem>>
    %dma_wait3A_63 = arith.constant 0 : i32
    %dma_wait3A_64 = arith.constant 0 : i32
    %dma_wait3A_65 = tpu.memref_slice %arg2[%dma_wait3A_63, %dma_wait3A_64] : memref<10240x128xf32, #tpu.memory_space<hbm>> -> memref<40x128xf32, #tpu.memory_space<hbm>>
    tpu.wait_dma2 semaphore(%arg12 : memref<!tpu.dma_semaphore, #tpu.memory_space<semaphore_mem>>) src(%dma_wait3A_65 : memref<40x128xf32, #tpu.memory_space<hbm>>) dst(%dma_wait3A_62 : memref<40x128xf32, #tpu.memory_space<vmem>>)
    %run_scoped3A = arith.constant 124 : i32
    "tpu.region"() ({
      %run_scoped3A_67 = tpu.sem_alloc : memref<!tpu.dma_semaphore, #tpu.memory_space<semaphore_mem>>
      %dma_start3A_68 = arith.constant 0 : i32
      %dma_start3A_69 = tpu.memref_slice %arg7[%run_scoped3A, %dma_start3A_68] : memref<125x80xi32, #tpu.memory_space<vmem>> -> memref<1x80xi32, #tpu.memory_space<vmem>>
      %dma_start3A_70 = tpu.memref_squeeze %dma_start3A_69 : memref<1x80xi32, #tpu.memory_space<vmem>> -> memref<80xi32, #tpu.memory_space<vmem>>
      %dma_start3A_71 = arith.constant 0 : i32
      %dma_start3A_72 = arith.constant 0 : i32
      %dma_start3A_73 = tpu.memref_slice %arg10[%dma_start3A_71, %dma_start3A_72] : memref<10240x128xf32, #tpu.memory_space<vmem_shared>> -> memref<10240x128xf32, #tpu.memory_space<vmem_shared>>
      tpu.enqueue_indirect_dma source(%arg8 : memref<80x128xf32, #tpu.memory_space<vmem>>) target(%dma_start3A_73 : memref<10240x128xf32, #tpu.memory_space<vmem_shared>>) offsets(%dma_start3A_70 : memref<80xi32, #tpu.memory_space<vmem>>) semaphore(%run_scoped3A_67 : memref<!tpu.dma_semaphore, #tpu.memory_space<semaphore_mem>>) {add = true}
      %dma_wait3A_74 = arith.constant 0 : i32
      %dma_wait3A_75 = tpu.memref_slice %arg7[%run_scoped3A, %dma_wait3A_74] : memref<125x80xi32, #tpu.memory_space<vmem>> -> memref<1x80xi32, #tpu.memory_space<vmem>>
      %dma_wait3A_76 = tpu.memref_squeeze %dma_wait3A_75 : memref<1x80xi32, #tpu.memory_space<vmem>> -> memref<80xi32, #tpu.memory_space<vmem>>
      %dma_wait3A_77 = arith.constant 0 : i32
      %dma_wait3A_78 = arith.constant 0 : i32
      %dma_wait3A_79 = tpu.memref_slice %arg10[%dma_wait3A_77, %dma_wait3A_78] : memref<10240x128xf32, #tpu.memory_space<vmem_shared>> -> memref<10240x128xf32, #tpu.memory_space<vmem_shared>>
      tpu.wait_indirect_dma semaphore(%run_scoped3A_67 : memref<!tpu.dma_semaphore, #tpu.memory_space<semaphore_mem>>) src(%arg8 : memref<80x128xf32, #tpu.memory_space<vmem>>) dst(%dma_wait3A_79 : memref<10240x128xf32, #tpu.memory_space<vmem_shared>>)
      tpu.yield
    }) : () -> ()
    %barrier3A_66 = arith.constant 0 : index
    tpu.barrier barrier_id(%barrier3A_66)
    "tpu.region"() ({
      %run_scoped3A_67 = tpu.sem_alloc : memref<!tpu.dma_semaphore, #tpu.memory_space<semaphore_mem>>
      %dma_start3A_68 = arith.constant 0 : i32
      %dma_start3A_69 = arith.constant 0 : i32
      %dma_start3A_70 = tpu.memref_slice %arg5[%arg0, %dma_start3A_68, %dma_start3A_69] : memref<2x10240x128xf32, #tpu.memory_space<hbm>> -> memref<1x10240x128xf32, #tpu.memory_space<hbm>>
      %dma_start3A_71 = tpu.memref_squeeze %dma_start3A_70 : memref<1x10240x128xf32, #tpu.memory_space<hbm>> -> memref<10240x128xf32, #tpu.memory_space<hbm>>
      %dma_start3A_72 = arith.constant 0 : i32
      %dma_start3A_73 = tpu.memref_slice %dma_start3A_71[%mul3A_21, %dma_start3A_72] : memref<10240x128xf32, #tpu.memory_space<hbm>> -> memref<640x128xf32, #tpu.memory_space<hbm>>
      %dma_start3A_74 = arith.constant 0 : i32
      %dma_start3A_75 = tpu.memref_slice %arg10[%mul3A_21, %dma_start3A_74] : memref<10240x128xf32, #tpu.memory_space<vmem_shared>> -> memref<640x128xf32, #tpu.memory_space<vmem_shared>>
      tpu.enqueue_dma source(%dma_start3A_75 : memref<640x128xf32, #tpu.memory_space<vmem_shared>>) target(%dma_start3A_73 : memref<640x128xf32, #tpu.memory_space<hbm>>) target_semaphore(%run_scoped3A_67 : memref<!tpu.dma_semaphore, #tpu.memory_space<semaphore_mem>>)
      %dma_wait3A_76 = arith.constant 0 : i32
      %dma_wait3A_77 = arith.constant 0 : i32
      %dma_wait3A_78 = tpu.memref_slice %arg5[%arg0, %dma_wait3A_76, %dma_wait3A_77] : memref<2x10240x128xf32, #tpu.memory_space<hbm>> -> memref<1x10240x128xf32, #tpu.memory_space<hbm>>
      %dma_wait3A_79 = tpu.memref_squeeze %dma_wait3A_78 : memref<1x10240x128xf32, #tpu.memory_space<hbm>> -> memref<10240x128xf32, #tpu.memory_space<hbm>>
      %dma_wait3A_80 = arith.constant 0 : i32
      %dma_wait3A_81 = tpu.memref_slice %dma_wait3A_79[%mul3A_21, %dma_wait3A_80] : memref<10240x128xf32, #tpu.memory_space<hbm>> -> memref<640x128xf32, #tpu.memory_space<hbm>>
      %dma_wait3A_82 = arith.constant 0 : i32
      %dma_wait3A_83 = tpu.memref_slice %arg10[%mul3A_21, %dma_wait3A_82] : memref<10240x128xf32, #tpu.memory_space<vmem_shared>> -> memref<640x128xf32, #tpu.memory_space<vmem_shared>>
      tpu.wait_dma2 semaphore(%run_scoped3A_67 : memref<!tpu.dma_semaphore, #tpu.memory_space<semaphore_mem>>) src(%dma_wait3A_83 : memref<640x128xf32, #tpu.memory_space<vmem_shared>>) dst(%dma_wait3A_81 : memref<640x128xf32, #tpu.memory_space<hbm>>)
      tpu.yield
    }) : () -> ()
    return
  }
}

module attributes {stable_mosaic.version = 14 : i64} {
  func.func @_tc1a_body(%arg0: i32, %arg1: memref<2048x128xf32, #tpu.memory_space<vmem>>, %arg2: memref<128x128xf32, #tpu.memory_space<vmem>>, %arg3: memref<2048x128xf32, #tpu.memory_space<vmem>>) attributes {dimension_semantics = [#tpu.dimension_semantics<arbitrary>], iteration_bounds = array<i64: 5>, scalar_prefetch = 0 : i64, scratch_operands = 0 : i64, tpu.core_type = #tpu.core_type<tc>, window_params = [{transform_indices = @transform_0, window_bounds = array<i64: 2048, 128>}, {pipeline_mode = #tpu.pipeline_mode<synchronous>, transform_indices = @transform_1, window_bounds = array<i64: 128, 128>}, {transform_indices = @transform_2, window_bounds = array<i64: 2048, 128>}]} {
    %get3A = arith.constant 0 : index
    %get3A_0 = arith.constant 0 : index
    %get3A_1 = vector.load %arg1[%get3A, %get3A_0] : memref<2048x128xf32, #tpu.memory_space<vmem>>, vector<2048x128xf32>
    %get3A_2 = arith.constant 0 : index
    %get3A_3 = arith.constant 0 : index
    %get3A_4 = vector.load %arg2[%get3A_2, %get3A_3] : memref<128x128xf32, #tpu.memory_space<vmem>>, vector<128x128xf32>
    %dot_general3A = arith.constant dense<0.000000e+00> : vector<2048x128xf32>
    %dot_general3A_5 = tpu.matmul %get3A_1, %get3A_4, %dot_general3A {dimension_numbers = #tpu.dot_dimension_numbers<[1], [1], [0], [0], [0, 0, 1, 0], [], []>, transpose_lhs_hint = false} : vector<2048x128xf32>, vector<128x128xf32>, vector<2048x128xf32> -> vector<2048x128xf32>
    %swap3A = arith.constant 0 : index
    %swap3A_6 = arith.constant 0 : index
    %swap3A_7 = vector.load %arg3[%swap3A, %swap3A_6] : memref<2048x128xf32, #tpu.memory_space<vmem>>, vector<2048x128xf32>
    tpu.vector_store %arg3[%swap3A, %swap3A_6], %dot_general3A_5 {strides = array<i32>} : memref<2048x128xf32, #tpu.memory_space<vmem>>, vector<2048x128xf32>,
    return
  }
  func.func @transform_0(%arg0: i32) -> (i32, i32) {
    %c0_i32 = arith.constant 0 : i32
    %c0_i32_0 = arith.constant 0 : i32
    return %arg0, %c0_i32 : i32, i32
  }
  func.func @transform_1(%arg0: i32) -> (i32, i32) {
    %c0_i32 = arith.constant 0 : i32
    %c0_i32_0 = arith.constant 0 : i32
    %c0_i32_1 = arith.constant 0 : i32
    return %c0_i32, %c0_i32_0 : i32, i32
  }
  func.func @transform_2(%arg0: i32) -> (i32, i32) {
    %c0_i32 = arith.constant 0 : i32
    %c0_i32_0 = arith.constant 0 : i32
    return %arg0, %c0_i32 : i32, i32
  }
}

module attributes {stable_mosaic.version = 14 : i64} {
  func.func @_tc1b_body(%arg0: i32, %arg1: memref<2048x128xf32, #tpu.memory_space<vmem>>, %arg2: memref<2x2048xf32, #tpu.memory_space<vmem>>, %arg3: memref<2048x128xf32, #tpu.memory_space<vmem>>, %arg4: memref<2048x1xf32, #tpu.memory_space<vmem>>) attributes {dimension_semantics = [#tpu.dimension_semantics<arbitrary>], iteration_bounds = array<i64: 5>, scalar_prefetch = 0 : i64, scratch_operands = 0 : i64, tpu.core_type = #tpu.core_type<tc>, window_params = [{transform_indices = @transform_0, window_bounds = array<i64: 2048, 128>}, {transform_indices = @transform_1, window_bounds = array<i64: 2, 2048>}, {transform_indices = @transform_2, window_bounds = array<i64: 2048, 128>}, {transform_indices = @transform_3, window_bounds = array<i64: 2048, 1>}]} {
    %get3A = arith.constant 0 : index
    %get3A_0 = arith.constant 0 : index
    %get3A_1 = vector.load %arg2[%get3A, %get3A_0] : memref<2x2048xf32, #tpu.memory_space<vmem>>, vector<1x2048xf32>
    %get3A_2 = vector.shape_cast %get3A_1 : vector<1x2048xf32> to vector<2048xf32>
    %get3A_3 = arith.constant 1 : index
    %get3A_4 = arith.constant 0 : index
    %get3A_5 = vector.load %arg2[%get3A_3, %get3A_4] : memref<2x2048xf32, #tpu.memory_space<vmem>>, vector<1x2048xf32>
    %get3A_6 = vector.shape_cast %get3A_5 : vector<1x2048xf32> to vector<2048xf32>
    %add3A = arith.addf %get3A_2, %get3A_6 : vector<2048xf32>
    %add3A_7 = arith.constant 1.000000e+00 : f32
    %add3A_8 = vector.broadcast %add3A_7 : f32 to vector<2048xf32>
    %add3A_9 = arith.addf %add3A, %add3A_8 : vector<2048xf32>
    %rsqrt3A = math.rsqrt %add3A_9 : vector<2048xf32>
    %broadcast_in_dim3A = vector.shape_cast %rsqrt3A : vector<2048xf32> to vector<2048x1xf32>
    %swap3A = arith.constant 0 : index
    %swap3A_10 = arith.constant 0 : index
    %swap3A_11 = vector.load %arg4[%swap3A, %swap3A_10] : memref<2048x1xf32, #tpu.memory_space<vmem>>, vector<2048x1xf32>
    tpu.vector_store %arg4[%swap3A, %swap3A_10], %broadcast_in_dim3A {strides = array<i32>} : memref<2048x1xf32, #tpu.memory_space<vmem>>, vector<2048x1xf32>,
    %get3A_12 = arith.constant 0 : index
    %get3A_13 = arith.constant 0 : index
    %get3A_14 = vector.load %arg1[%get3A_12, %get3A_13] : memref<2048x128xf32, #tpu.memory_space<vmem>>, vector<2048x128xf32>
    %mul3A = vector.broadcast %broadcast_in_dim3A : vector<2048x1xf32> to vector<2048x128xf32>
    %mul3A_15 = arith.mulf %get3A_14, %mul3A : vector<2048x128xf32>
    %swap3A_16 = arith.constant 0 : index
    %swap3A_17 = arith.constant 0 : index
    %swap3A_18 = vector.load %arg3[%swap3A_16, %swap3A_17] : memref<2048x128xf32, #tpu.memory_space<vmem>>, vector<2048x128xf32>
    tpu.vector_store %arg3[%swap3A_16, %swap3A_17], %mul3A_15 {strides = array<i32>} : memref<2048x128xf32, #tpu.memory_space<vmem>>, vector<2048x128xf32>,
    return
  }
  func.func @transform_0(%arg0: i32) -> (i32, i32) {
    %c0_i32 = arith.constant 0 : i32
    %c0_i32_0 = arith.constant 0 : i32
    return %arg0, %c0_i32 : i32, i32
  }
  func.func @transform_1(%arg0: i32) -> (i32, i32) {
    %c0_i32 = arith.constant 0 : i32
    %c0_i32_0 = arith.constant 0 : i32
    return %c0_i32, %arg0 : i32, i32
  }
  func.func @transform_2(%arg0: i32) -> (i32, i32) {
    %c0_i32 = arith.constant 0 : i32
    %c0_i32_0 = arith.constant 0 : i32
    return %arg0, %c0_i32 : i32, i32
  }
  func.func @transform_3(%arg0: i32) -> (i32, i32) {
    %c0_i32 = arith.constant 0 : i32
    %c0_i32_0 = arith.constant 0 : i32
    return %arg0, %c0_i32 : i32, i32
  }
}

module attributes {stable_mosaic.version = 14 : i64} {
  func.func @_tc2_body(%arg0: i32, %arg1: memref<2x2048x128xf32, #tpu.memory_space<vmem>>, %arg2: memref<2048x128xf32, #tpu.memory_space<vmem>>, %arg3: memref<2048x1xf32, #tpu.memory_space<vmem>>, %arg4: memref<1x128xf32, #tpu.memory_space<vmem>>, %arg5: memref<128x128xf32, #tpu.memory_space<vmem>>, %arg6: memref<2048x128xf32, #tpu.memory_space<vmem>>) attributes {dimension_semantics = [#tpu.dimension_semantics<arbitrary>], iteration_bounds = array<i64: 5>, scalar_prefetch = 0 : i64, scratch_operands = 0 : i64, tpu.core_type = #tpu.core_type<tc>, window_params = [{transform_indices = @transform_0, window_bounds = array<i64: 2, 2048, 128>}, {transform_indices = @transform_1, window_bounds = array<i64: 2048, 128>}, {transform_indices = @transform_2, window_bounds = array<i64: 2048, 1>}, {pipeline_mode = #tpu.pipeline_mode<synchronous>, transform_indices = @transform_3, window_bounds = array<i64: 1, 128>}, {pipeline_mode = #tpu.pipeline_mode<synchronous>, transform_indices = @transform_4, window_bounds = array<i64: 128, 128>}, {transform_indices = @transform_5, window_bounds = array<i64: 2048, 128>}]} {
    %get3A = arith.constant 0 : index
    %get3A_0 = arith.constant 0 : index
    %get3A_1 = arith.constant 0 : index
    %get3A_2 = vector.load %arg1[%get3A, %get3A_0, %get3A_1] : memref<2x2048x128xf32, #tpu.memory_space<vmem>>, vector<1x2048x128xf32>
    %get3A_3 = vector.shape_cast %get3A_2 : vector<1x2048x128xf32> to vector<2048x128xf32>
    %get3A_4 = arith.constant 1 : index
    %get3A_5 = arith.constant 0 : index
    %get3A_6 = arith.constant 0 : index
    %get3A_7 = vector.load %arg1[%get3A_4, %get3A_5, %get3A_6] : memref<2x2048x128xf32, #tpu.memory_space<vmem>>, vector<1x2048x128xf32>
    %get3A_8 = vector.shape_cast %get3A_7 : vector<1x2048x128xf32> to vector<2048x128xf32>
    %add3A = arith.addf %get3A_3, %get3A_8 : vector<2048x128xf32>
    %get3A_9 = arith.constant 0 : index
    %get3A_10 = arith.constant 0 : index
    %get3A_11 = vector.load %arg2[%get3A_9, %get3A_10] : memref<2048x128xf32, #tpu.memory_space<vmem>>, vector<2048x128xf32>
    %add3A_12 = arith.addf %add3A, %get3A_11 : vector<2048x128xf32>
    %get3A_13 = arith.constant 0 : index
    %get3A_14 = arith.constant 0 : index
    %get3A_15 = vector.load %arg3[%get3A_13, %get3A_14] : memref<2048x1xf32, #tpu.memory_space<vmem>>, vector<2048x1xf32>
    %mul3A = vector.broadcast %get3A_15 : vector<2048x1xf32> to vector<2048x128xf32>
    %mul3A_16 = arith.mulf %mul3A, %add3A_12 : vector<2048x128xf32>
    %get3A_17 = arith.constant 0 : index
    %get3A_18 = arith.constant 0 : index
    %get3A_19 = vector.load %arg4[%get3A_17, %get3A_18] : memref<1x128xf32, #tpu.memory_space<vmem>>, vector<1x128xf32>
    %add3A_20 = vector.broadcast %get3A_19 : vector<1x128xf32> to vector<2048x128xf32>
    %add3A_21 = arith.addf %mul3A_16, %add3A_20 : vector<2048x128xf32>
    %max3A = arith.constant 0.000000e+00 : f32
    %max3A_22 = vector.broadcast %max3A : f32 to vector<2048x128xf32>
    %max3A_23 = arith.maximumf %add3A_21, %max3A_22 : vector<2048x128xf32>
    %get3A_24 = arith.constant 0 : index
    %get3A_25 = arith.constant 0 : index
    %get3A_26 = vector.load %arg5[%get3A_24, %get3A_25] : memref<128x128xf32, #tpu.memory_space<vmem>>, vector<128x128xf32>
    %dot_general3A = arith.constant dense<0.000000e+00> : vector<2048x128xf32>
    %dot_general3A_27 = tpu.matmul %max3A_23, %get3A_26, %dot_general3A {dimension_numbers = #tpu.dot_dimension_numbers<[1], [1], [0], [0], [0, 0, 1, 0], [], []>, transpose_lhs_hint = false} : vector<2048x128xf32>, vector<128x128xf32>, vector<2048x128xf32> -> vector<2048x128xf32>
    %get3A_28 = arith.constant 0 : index
    %get3A_29 = arith.constant 0 : index
    %get3A_30 = vector.load %arg3[%get3A_28, %get3A_29] : memref<2048x1xf32, #tpu.memory_space<vmem>>, vector<2048x1xf32>
    %mul3A_31 = vector.broadcast %get3A_30 : vector<2048x1xf32> to vector<2048x128xf32>
    %mul3A_32 = arith.mulf %dot_general3A_27, %mul3A_31 : vector<2048x128xf32>
    %swap3A = arith.constant 0 : index
    %swap3A_33 = arith.constant 0 : index
    %swap3A_34 = vector.load %arg6[%swap3A, %swap3A_33] : memref<2048x128xf32, #tpu.memory_space<vmem>>, vector<2048x128xf32>
    tpu.vector_store %arg6[%swap3A, %swap3A_33], %mul3A_32 {strides = array<i32>} : memref<2048x128xf32, #tpu.memory_space<vmem>>, vector<2048x128xf32>,
    return
  }
  func.func @transform_0(%arg0: i32) -> (i32, i32, i32) {
    %c0_i32 = arith.constant 0 : i32
    %c0_i32_0 = arith.constant 0 : i32
    %c0_i32_1 = arith.constant 0 : i32
    return %c0_i32, %arg0, %c0_i32_0 : i32, i32, i32
  }
  func.func @transform_1(%arg0: i32) -> (i32, i32) {
    %c0_i32 = arith.constant 0 : i32
    %c0_i32_0 = arith.constant 0 : i32
    return %arg0, %c0_i32 : i32, i32
  }
  func.func @transform_2(%arg0: i32) -> (i32, i32) {
    %c0_i32 = arith.constant 0 : i32
    %c0_i32_0 = arith.constant 0 : i32
    return %arg0, %c0_i32 : i32, i32
  }
  func.func @transform_3(%arg0: i32) -> (i32, i32) {
    %c0_i32 = arith.constant 0 : i32
    %c0_i32_0 = arith.constant 0 : i32
    %c0_i32_1 = arith.constant 0 : i32
    return %c0_i32, %c0_i32_0 : i32, i32
  }
  func.func @transform_4(%arg0: i32) -> (i32, i32) {
    %c0_i32 = arith.constant 0 : i32
    %c0_i32_0 = arith.constant 0 : i32
    %c0_i32_1 = arith.constant 0 : i32
    return %c0_i32, %c0_i32_0 : i32, i32
  }
  func.func @transform_5(%arg0: i32) -> (i32, i32) {
    %c0_i32 = arith.constant 0 : i32
    %c0_i32_0 = arith.constant 0 : i32
    return %arg0, %c0_i32 : i32, i32
  }
}

module attributes {stable_mosaic.version = 14 : i64} {
  func.func @_tc3_body(%arg0: i32, %arg1: memref<2x2000x128xf32, #tpu.memory_space<vmem>>, %arg2: memref<2000x128xf32, #tpu.memory_space<vmem>>, %arg3: memref<2000x1xf32, #tpu.memory_space<vmem>>, %arg4: memref<1x128xf32, #tpu.memory_space<vmem>>, %arg5: memref<2000x128xf32, #tpu.memory_space<vmem>>, %arg6: memref<2000x128xf32, #tpu.memory_space<vmem>>) attributes {dimension_semantics = [#tpu.dimension_semantics<arbitrary>], iteration_bounds = array<i64: 5>, scalar_prefetch = 0 : i64, scratch_operands = 0 : i64, tpu.core_type = #tpu.core_type<tc>, window_params = [{transform_indices = @transform_0, window_bounds = array<i64: 2, 2000, 128>}, {transform_indices = @transform_1, window_bounds = array<i64: 2000, 128>}, {transform_indices = @transform_2, window_bounds = array<i64: 2000, 1>}, {pipeline_mode = #tpu.pipeline_mode<synchronous>, transform_indices = @transform_3, window_bounds = array<i64: 1, 128>}, {transform_indices = @transform_4, window_bounds = array<i64: 2000, 128>}, {transform_indices = @transform_5, window_bounds = array<i64: 2000, 128>}]} {
    %get3A = arith.constant 0 : index
    %get3A_0 = arith.constant 0 : index
    %get3A_1 = arith.constant 0 : index
    %get3A_2 = vector.load %arg1[%get3A, %get3A_0, %get3A_1] : memref<2x2000x128xf32, #tpu.memory_space<vmem>>, vector<1x2000x128xf32>
    %get3A_3 = vector.shape_cast %get3A_2 : vector<1x2000x128xf32> to vector<2000x128xf32>
    %get3A_4 = arith.constant 1 : index
    %get3A_5 = arith.constant 0 : index
    %get3A_6 = arith.constant 0 : index
    %get3A_7 = vector.load %arg1[%get3A_4, %get3A_5, %get3A_6] : memref<2x2000x128xf32, #tpu.memory_space<vmem>>, vector<1x2000x128xf32>
    %get3A_8 = vector.shape_cast %get3A_7 : vector<1x2000x128xf32> to vector<2000x128xf32>
    %add3A = arith.addf %get3A_3, %get3A_8 : vector<2000x128xf32>
    %get3A_9 = arith.constant 0 : index
    %get3A_10 = arith.constant 0 : index
    %get3A_11 = vector.load %arg2[%get3A_9, %get3A_10] : memref<2000x128xf32, #tpu.memory_space<vmem>>, vector<2000x128xf32>
    %add3A_12 = arith.addf %add3A, %get3A_11 : vector<2000x128xf32>
    %get3A_13 = arith.constant 0 : index
    %get3A_14 = arith.constant 0 : index
    %get3A_15 = vector.load %arg3[%get3A_13, %get3A_14] : memref<2000x1xf32, #tpu.memory_space<vmem>>, vector<2000x1xf32>
    %mul3A = vector.broadcast %get3A_15 : vector<2000x1xf32> to vector<2000x128xf32>
    %mul3A_16 = arith.mulf %mul3A, %add3A_12 : vector<2000x128xf32>
    %get3A_17 = arith.constant 0 : index
    %get3A_18 = arith.constant 0 : index
    %get3A_19 = vector.load %arg4[%get3A_17, %get3A_18] : memref<1x128xf32, #tpu.memory_space<vmem>>, vector<1x128xf32>
    %add3A_20 = vector.broadcast %get3A_19 : vector<1x128xf32> to vector<2000x128xf32>
    %add3A_21 = arith.addf %mul3A_16, %add3A_20 : vector<2000x128xf32>
    %max3A = arith.constant 0.000000e+00 : f32
    %max3A_22 = vector.broadcast %max3A : f32 to vector<2000x128xf32>
    %max3A_23 = arith.maximumf %add3A_21, %max3A_22 : vector<2000x128xf32>
    %get3A_24 = arith.constant 0 : index
    %get3A_25 = arith.constant 0 : index
    %get3A_26 = vector.load %arg5[%get3A_24, %get3A_25] : memref<2000x128xf32, #tpu.memory_space<vmem>>, vector<2000x128xf32>
    %add3A_27 = arith.addf %get3A_26, %max3A_23 : vector<2000x128xf32>
    %swap3A = arith.constant 0 : index
    %swap3A_28 = arith.constant 0 : index
    %swap3A_29 = vector.load %arg6[%swap3A, %swap3A_28] : memref<2000x128xf32, #tpu.memory_space<vmem>>, vector<2000x128xf32>
    tpu.vector_store %arg6[%swap3A, %swap3A_28], %add3A_27 {strides = array<i32>} : memref<2000x128xf32, #tpu.memory_space<vmem>>, vector<2000x128xf32>,
    return
  }
  func.func @transform_0(%arg0: i32) -> (i32, i32, i32) {
    %c0_i32 = arith.constant 0 : i32
    %c0_i32_0 = arith.constant 0 : i32
    %c0_i32_1 = arith.constant 0 : i32
    return %c0_i32, %arg0, %c0_i32_0 : i32, i32, i32
  }
  func.func @transform_1(%arg0: i32) -> (i32, i32) {
    %c0_i32 = arith.constant 0 : i32
    %c0_i32_0 = arith.constant 0 : i32
    return %arg0, %c0_i32 : i32, i32
  }
  func.func @transform_2(%arg0: i32) -> (i32, i32) {
    %c0_i32 = arith.constant 0 : i32
    %c0_i32_0 = arith.constant 0 : i32
    return %arg0, %c0_i32 : i32, i32
  }
  func.func @transform_3(%arg0: i32) -> (i32, i32) {
    %c0_i32 = arith.constant 0 : i32
    %c0_i32_0 = arith.constant 0 : i32
    %c0_i32_1 = arith.constant 0 : i32
    return %c0_i32, %c0_i32_0 : i32, i32
  }
  func.func @transform_4(%arg0: i32) -> (i32, i32) {
    %c0_i32 = arith.constant 0 : i32
    %c0_i32_0 = arith.constant 0 : i32
    return %arg0, %c0_i32 : i32, i32
  }
  func.func @transform_5(%arg0: i32) -> (i32, i32) {
    %c0_i32 = arith.constant 0 : i32
    %c0_i32_0 = arith.constant 0 : i32
    return %arg0, %c0_i32 : i32, i32
  }
}

</mosaic_0001>

<sc_bundles>
// kernel: kernel.12.cloned.1.call-start
scs
__scs_entry_jumppad:
0x0: {  	(pc) =	sbr.rel $0x88, $3  }
0x1: {  	(tag) =	ssettag $0x0;
	lr =	simm.s32 $0x1  }
0x2: {  	[smem:$0x3F9B] =	sst lr;
	_ =	strace $0xD0000000  }
0x3: {  	_ = 	snop  }
0x4: {  	_ = 	snop  }
0x5: {  	_ = 	snop  }
0x6: {  	_ = 	snop  }
0x7: {  	_ = 	snop  }
__scs_overlays_trampoline_lowered:
0x8: {  	[smem:$0x3FAA] =	sst s0  }
0x9: {  	[smem:$0x3FAB] =	sst s1  }
0xa: {  	[smem:$0x3FAC] =	sst s2  }
0xb: {  	[smem:$0x3FAD] =	sst s3  }
0xc: {  	[smem:$0x3FAE] =	sst s4  }
0xd: {  	[smem:$0x3FAF] =	sst s5  }
0xe: {  	[smem:$0x3FB0] =	sst s6  }
0xf: {  	[smem:$0x3FB1] =	sst s7  }
0x10: {  	[smem:$0x3FB2] =	sst s8  }
0x11: {  	[smem:$0x3FB3] =	sst s9;
	s0 =	simm.s32 @!p0 $0x0  }
0x12: {  	s1 =	sld [smem:$0x3F99];
	s0 =	simm.s32 @p0 $0x1  }
0x13: {  	[smem:$0x3FB4] =	sst s0;
	s0 =	simm.s32 @!p1 $0x0  }
0x14: {  	s2 =	sld [smem:$0x3F98];
	s0 =	simm.s32 @p1 $0x1  }
0x15: {  	[smem:$0x3FB5] =	sst s0;
	s0 =	simm.s32 @!p2 $0x0  }
0x16: {  	s3 =	sld [smem:$0x3FDB];
	s0 =	simm.s32 @p2 $0x1  }
0x17: {  	s4 =	simm.s32 $0x1BF5;
	[smem:$0x3FB7] =	sst s0  }
0x18: {  	s0 =	sld [smem:$0x3F9A];
	_ =	swait.ge [sflag:s4], $0x0  }
0x19: {  	s7 =	sld [smem:$0x3F9B]  }
0x1a: {  	s8 =	sadd.s32 $0xFFFFE003, lr  }
0x1b: {  	s9 =	sadd.s32 $0xFFFFFEF7, lr;
	s5 =	simm.s32 $0xFFFFFFFF;
	p2 =	slt.u32 s8, $0xFFFFF086  }
0x1c: {  	p1 =	slt.u32 s9, $0xF7A;
	s5 =	simm.s32 @!p2 $0x0  }
0x1d: {  	s5 =	simm.s32 @p1 $0x1;
	p0 =	seq.s32 s7, s2  }
0x1e: {  	s7 =	smul.u32 @!p0 $0xF7A, s2;
	p2 =	seq.s32 @!p0 s5, $0x0  }
0x1f: {  	s9 =	smul.u32 $0xF7A, s1;
	s8 =	simm.s32 @!p0 $0x1BF5;
	p2 =	por !p2, p0  }
0x20: {  	[sflag:s8] =	ssyncset.s32 @!p0 $0xFFFFF086;
	s6 =	sadd.s32 @!p0 s3, s7;
	s7 =	simm.s32 @!p0 $0x108  }
0x21: {  	s3 =	sadd.s32 s3, s9;
	s6 =	sadd.s32 @!p0 $0x88, s6;
	s7 =	simm.s32 @p2 $0x1082  }
0x22: {  	[simem:s7], [sflag:s8] =	dma.local @!p0 [hbm:s6], $0xF7A  }
0x23: {  	s9 =	sor.u32 $0xD0000000, s2;
	s6 =	simm.s32 $0x108;
	_ =	swait.ge @!p0 [sflag:s8], $0x0  }
0x24: {  	s3 =	sadd.s32 $0x88, s3;
	s6 =	simm.s32 @!p1 $0x1082;
	[sflag:s4] =	ssyncset.s32 $0xFFFFF086  }
0x25: {  	[simem:s6], [sflag:s4] =	dma.local [hbm:s3], $0xF7A  }
0x26: {  	[smem:$0x3F9B] =	sst s1;
	(tag) =	ssettag s2;
	_ =	strace s9  }
0x27: {  	s1 =	sld [smem:$0x3FAB]  }
0x28: {  	s2 =	sld [smem:$0x3FAC]  }
0x29: {  	s4 =	sld [smem:$0x3FAE]  }
0x2a: {  	p0 =	seq.s32 s5, $0x0;
	s5 =	sld [smem:$0x3FAF]  }
0x2b: {  	s6 =	sld [smem:$0x3FB0]  }
0x2c: {  	s7 =	sld [smem:$0x3FB1]  }
0x2d: {  	s3 =	simm.s32 $0x108;
	s8 =	sld [smem:$0x3FB2]  }
0x2e: {  	s3 =	simm.s32 @!p0 $0x1082;
	s9 =	sld [smem:$0x3FB3]  }
0x2f: {  	lr =	sadd.s32 s0, s3;
	s0 =	sld [smem:$0x3FAA]  }
0x30: {  	s3 =	sld [smem:$0x3FAD]  }
0x31: {  	[smem:$0x3FB6] =	sst s10  }
0x32: {  	s10 =	sld [smem:$0x3FB4];
	_ =	sdelay $0x3  }
0x33: {  	p0 =	seq.s32 s10, $0x1;
	s10 =	sld [smem:$0x3FB6];
	_ =	sdelay $0x3  }
0x34: {  	[smem:$0x3FB6] =	sst s10  }
0x35: {  	s10 =	sld [smem:$0x3FB5];
	_ =	sdelay $0x3  }
0x36: {  	p1 =	seq.s32 s10, $0x1;
	s10 =	sld [smem:$0x3FB6];
	_ =	sdelay $0x3  }
0x37: {  	[smem:$0x3FB6] =	sst s10  }
0x38: {  	s10 =	sld [smem:$0x3FB7]  }
0x39: {  	_ = 	snop;
	(pc) =	sbr.ind lr, $3  }
0x3a: {  	_ = 	snop  }
0x3b: {  	_ = 	snop  }
0x3c: {  	p2 =	seq.s32 s10, $0x1;
	s10 =	sld [smem:$0x3FB6]  }
0x3d: {  	_ =	shalt  }
0x3e: {  	_ =	shalt  }
0x3f: {  	_ =	shalt  }
0x40: {  	_ =	shalt  }
0x41: {  	_ =	shalt  }
0x42: {  	_ =	shalt  }
0x43: {  	_ =	shalt  }
0x44: {  	_ =	shalt  }
0x45: {  	_ =	shalt  }
0x46: {  	_ =	shalt  }
0x47: {  	_ =	shalt  }
0x48: {  	_ =	shalt  }
0x49: {  	_ =	shalt  }
0x4a: {  	_ =	shalt  }
0x4b: {  	_ =	shalt  }
0x4c: {  	_ =	shalt  }
0x4d: {  	_ =	shalt  }
0x4e: {  	_ =	shalt  }
0x4f: {  	_ =	shalt  }
0x50: {  	_ =	shalt  }
0x51: {  	_ =	shalt  }
0x52: {  	_ =	shalt  }
0x53: {  	_ =	shalt  }
0x54: {  	_ =	shalt  }
0x55: {  	_ =	shalt  }
0x56: {  	_ =	shalt  }
0x57: {  	_ =	shalt  }
0x58: {  	_ =	shalt  }
0x59: {  	_ =	shalt  }
0x5a: {  	_ =	shalt  }
0x5b: {  	_ =	shalt  }
0x5c: {  	_ =	shalt  }
0x5d: {  	_ =	shalt  }
0x5e: {  	_ =	shalt  }
0x5f: {  	_ =	shalt  }
0x60: {  	_ =	shalt  }
0x61: {  	_ =	shalt  }
0x62: {  	_ =	shalt  }
0x63: {  	_ =	shalt  }
0x64: {  	_ =	shalt  }
0x65: {  	_ =	shalt  }
0x66: {  	_ =	shalt  }
0x67: {  	_ =	shalt  }
0x68: {  	_ =	shalt  }
0x69: {  	_ =	shalt  }
0x6a: {  	_ =	shalt  }
0x6b: {  	_ =	shalt  }
0x6c: {  	_ =	shalt  }
0x6d: {  	_ =	shalt  }
0x6e: {  	_ =	shalt  }
0x6f: {  	_ =	shalt  }
0x70: {  	_ =	shalt  }
0x71: {  	_ =	shalt  }
0x72: {  	_ =	shalt  }
0x73: {  	_ =	shalt  }
0x74: {  	_ =	shalt  }
0x75: {  	_ =	shalt  }
0x76: {  	_ =	shalt  }
0x77: {  	_ =	shalt  }
0x78: {  	_ =	shalt  }
0x79: {  	_ =	shalt  }
0x7a: {  	_ =	shalt  }
0x7b: {  	_ =	shalt  }
0x7c: {  	_ =	shalt  }
0x7d: {  	_ =	shalt  }
0x7e: {  	_ =	shalt  }
0x7f: {  	_ =	shalt  }
0x80: {  	_ =	shalt  }
0x81: {  	_ =	shalt  }
0x82: {  	_ =	shalt  }
0x83: {  	_ =	shalt  }
0x84: {  	_ =	shalt  }
0x85: {  	_ =	shalt  }
0x86: {  	_ =	shalt  }
0x87: {  	_ =	shalt  }
.Lfunc_end0:
.L_simem_size_0:
called_computation.1_lowered:
.L_overlay_start_0:
0x88: {  	s2 =	sld [smem:$0x3FD9]  }
0x89: {  	s3 =	sld [smem:$0x3FFE];
	_ =	sdelay $0x1  }
0x8a: {  	s1 =	srdreg.scid  }
0x8b: {  	s0 =	sand.u32 $0x1, s1  }
0x8c: {  	s17 =	sshll.u32 s0, $0xA;
	s2 =	sadd.s32 s3, s2  }
0x8d: {  	s2 =	sadd.s32 s2, s17  }
0x8e: {  	[smem:$0x3FC2] =	sst s2  }
0x8f: {  	_ = 	snop  }
0x90: {  	s2 =	sld [smem:$0x3FD0];
	(tm) =	ssettm $0x1  }
0x91: {  	s18 =	sld [smem:$0x3FFB];
	_ =	sdelay $0x3  }
0x92: {  	_ =	strace s18  }
0x93: {  	s3 =	sld [smem:$0x3FFC];
	_ =	sdelay $0x3  }
0x94: {  	_ =	strace s3  }
0x95: {  	s3 =	sld [smem:$0x3FFD];
	_ =	sdelay $0x3  }
0x96: {  	_ =	strace s3  }
0x97: {  	_ =	strace $0x8FFFFFFF  }
0x98: {  	s19 =	sld [smem:$0x3FDB];
	_ =	sdelay $0x1  }
0x99: {  	s4 =	simm.s32 $_scs_section_size  }
0x9a: {  	s5 =	simm.s32 $_size__tile_overlayer_lowered;
	s6 =	simm.s32 $_tile_overlayer_lowered  }
0x9b: {  	s22 =	simm.s32 $0x1BFF;
	s21 =	sshll.u32 s6, $0x1;
	s3 =	sadd.s32 s4, s19  }
0x9c: {  	s7 =	simm.s32 $0x0;
	s20 =	sshll.u32 s5, $0x1;
	s5 =	sadd.s32 s21, s3  }
0x9d: {  	[timem:s7], [sflag:s22] =	dma.local [hbm:s5], s20  }
0x9e: {  	_ =	swait.ge [sflag:s22], s20  }
0x9f: {  	s4 =	ssub.s32 $0x0, s20;
	[sflag:s22] =	ssyncset.done $0x0  }
0xa0: {  	[sflag:s22] =	ssyncadd.s32 s4;
	_ =	sdelay $0x1  }
0xa1: {  	s23 =	simm.s32 $0x1B8B  }
0xa2: {  	_ =	swait.ge [sflag:s23], $0x1  }
0xa3: {  	[sflag:s23] =	ssyncset.done $0x0  }
0xa4: {  	s25 =	simm.s32 $0x1B8E;
	s24 =	sld [smem:$0x3FFE];
	[sflag:s23] =	ssyncadd.s32 $0xFFFFFFFF  }
0xa5: {  	s26 =	simm.s32 $execute0_lowered;
	[smem:$0x3FD2] =	sst s25  }
0xa6: {  	s5 =	sshll.u32 s26, $0x1;
	_ =	strace $0x80000049;
	[dreg:$0x1] =	wrdreg $0xFFFFFFFF  }
0xa7: {  	s28 =	simm.s32 $_size_execute0_lowered;
	s3 =	sadd.s32 s3, s5;
	[dreg:$0x0] =	wrdreg $0x0  }
0xa8: {  	s5 =	sshll.u32 s28, $0x1;
	[dreg:$0x2] =	wrdreg s3  }
0xa9: {  	[dreg:$0x3] =	wrdreg s5  }
0xaa: {  	[dreg:$0x4] =	wrdreg $0xC0  }
0xab: {  	_ =	task [dreg:s7], $0x5FFFF  }
0xac: {  	[dreg:$0x1] =	wrdreg $0xFFFFFFFF  }
0xad: {  	[dreg:$0x0] =	wrdreg $0x60  }
0xae: {  	[dreg:$0x2] =	wrdreg s24  }
0xaf: {  	[dreg:$0x3] =	wrdreg s2  }
0xb0: {  	[dreg:$0x4] =	wrdreg $0xB7800  }
0xb1: {  	[dreg:$0x5] =	wrdreg $0x9  }
0xb2: {  	_ =	task.clear_ibuf [dreg:s7], $0x6FFFF;
	_ =	strace $0x90000049  }
0xb3: {  	s29 =	simm.s32 $0x9;
	_ =	strace $0x8000004B  }
0xb4: {  	_ =	swait.ge [sflag:s29], $0x1  }
0xb5: {  	[sflag:s29] =	ssyncadd.s32 $0xFFFFFFFF  }
0xb6: {  	_ =	strace $0x9000004B  }
0xb7: {  	_ =	sfence  }
0xb8: {  	s30 =	sld [smem:$0x0];
	_ =	sdelay $0x2  }
0xb9: {  	s31 =	sshll.u32 s1, $0xD;
	s1 =	sshrl.u32 s1, $0x2  }
0xba: {  	s3 =	sand.u32 $0x4000, s31;
	s1 =	sadd.s32 s1, s30  }
0xbb: {  	s0 =	sor.u32 s3, s0;
	s1 =	sshll.u32 s1, $0x11  }
0xbc: {  	s0 =	sor.u32 s1, s0  }
0xbd: {  	s0 =	sadd.s32 $0x8F2B, s0  }
0xbe: {  	[sflag:s0] =	ssyncadd.remote.s32 $0x1  }
0xbf: {  	_ =	sfence.sel $0xFFFF  }
0xc0: {  	[dreg:$0x0] =	wrdreg $0xFFFFFFFF;
	(pc) =	sbr.abs _section_cstart, $3  }
0xc1: {  	[dreg:$0x1] =	wrdreg $0xFFFFFFFF  }
0xc2: {  	_ =	task.clear_ibuf [dreg:s7], $0x2FFFF;
	_ =	strace $0x9FFFFFFF  }
0xc3: {  	(tm) =	ssettm $0x7FFFFFFF  }
tec
execute0_lowered:
.L_overlay_start_1:
0x0: {  	(tag) =	ssettag $0x1  }
0x1: {  	s0 =	srdreg.scid;
	s1 =	rddreg [dreg:$0x0]  }
0x2: {  	s16 =	stileid.u32;
	s5 =	rddreg [dreg:$0x1]  }
0x3: {  	s2 =	rddreg [dreg:$0x2];
	s18 =	simm.s32 $0x5;
	s20 =	simm.s32 $0x28  }
0x4: {  	s21 =	simm.s32 $0x6780;
	s28 =	simm.s32 $0xA380;
	s29 =	simm.s32 $0x50  }
0x5: {  	s30 =	simm.s32 $0x3;
	s31 =	simm.s32 $0x4;
	s10 =	smul.u32 $0x50000, s16  }
0x6: {  	s0 =	sand.u32 $0x1, s0;
	s3 =	sshrl.u32 s16, $0x3;
	s26 =	smul.u32 $0x2800, s16  }
0x7: {  	s7 =	sshll.u32 s16, $0x7;
	s23 =	sshll.u32 s16, $0xB;
	s4 =	smul.u32 $0x27800, s0  }
0x8: {  	s6 =	smul.u32 $0x13C00, s3;
	s3 =	simm.s32 $0x0;
	s7 =	sand.u32 $0x380, s7  }
0x9: {  	s22 =	smul.u32 $0x28000, s0;
	s8 =	ssub.s32 $0x2, s0;
	s0 =	sshll.u32 s0, $0xF  }
0xa: {  	[smem:$0x7FF] =	sst s3;
	s9 =	sshrl.u32 s8, $0x1;
	s24 =	sshrl.u32 s10, $0x2  }
0xb: {  	s6 =	sadd.s32 s4, s6;
	_ =	strace $0x8000004A;
	s4 =	sadd.s32 $0x16E00, s1  }
0xc: {  	s15 =	ssub.s32 s8, s9;
	s6 =	sor.u32 s7, s6;
	s7 =	sadd.s32 s5, s23  }
0xd: {  	s15 =	smax.u32 s15, $0x1;
	s23 =	simm.s32 $0x8F80;
	s6 =	sshrl.u32 s6, $0x3  }
0xe: {  	s6 =	sadd.s32 s6, s1;
	s1 =	sadd.s32 s22, s1;
	s22 =	simm.s32 $0x7B80  }
0xf: {  	s5 =	sadd.s32 $0xD000, s6;
	s6 =	sadd.s32 s0, s7;
	s7 =	sadd.s32 s24, s2  }
0x10: {  	s25 =	sadd.s32 $0x3EE00, s1;
	s0 =	simm.s32 $0x0;
	s8 =	sadd.s32 $0x2800, s7  }
0x11: {  	s9 =	sadd.s32 $0x5000, s7;
	s10 =	sadd.s32 $0x7800, s7;
	s11 =	sadd.s32 $0xA000, s7  }
0x12: {  	s12 =	sadd.s32 $0xC800, s7;
	s13 =	sadd.s32 $0xF000, s7;
	s14 =	sadd.s32 $0x11800, s7  }
0x13: {  	v0 =	vimm.f32 $0.0e+00;
	s24 =	sadd.s32 s26, s25;
	s25 =	simm.s32 $0x1;
	s26 =	simm.s32 $0x2  }
.LBB2_1:
0x14: {  	s1 =	simm.s32 $0x80;
	s16 =	simm.s32 $0x400  }
0x15: {  	[tilespmem:s3], [sflag:$0x5] =	stream.strided.gather [hbm4b:s5+s1], $0x2780, s16, s1, $0x38;
	[tilespmem:$0x1F780] =	vst v63  }
0x16: {  	_ =	swait.ge [sflag:s18], $0x2780  }
0x17: {  	[sflag:s18] =	ssyncset.done $0x0  }
0x18: {  	s19 =	simm.s32 $0x2780;
	[sflag:s18] =	ssyncadd.s32 $0xFFFFD880  }
0x19: {  	[tilespmem:s19], [sflag:$0x5] =	stream.linear.gather [hbm4b:s6+s3], $0x3E80, $0x38;
	[tilespmem:$0x1F780] =	vst v63  }
0x1a: {  	_ =	swait.ge [sflag:s18], $0x3E80  }
0x1b: {  	[sflag:s18] =	ssyncset.done $0x0  }
0x1c: {  	[sflag:s18] =	ssyncadd.s32 $0xFFFFC180  }
0x1d: {  	[tilespmem:s21], [sflag:$0x1] =	stream.indirect.gather [hbm4b:s4+s20], $0x80, s3, s20, $0xb8;
	[tilespmem:$0x1F780] =	vst v63  }
0x1e: {  	s17 =	simm.s32 $0x200;
	s16 =	simm.s32 $0x0  }
0x1f: {  	[tilespmem:s22], [sflag:$0x2] =	stream.indirect.gather [hbm4b:s4+s20], $0x80, s20, s20, $0xb8;
	[tilespmem:$0x1F780] =	vst v63  }
.LBB2_2:
0x20: {  	p0 =	sne.s32 s17, $0x9E00;
	[tilespmem:s16+$0x8FF0] =	vst v0  }
0x21: {  	[tilespmem:s16+$0x8F80] =	vst v0  }
0x22: {  	[tilespmem:s16+$0x8F90] =	vst v0  }
.Ltmp0:
0x23: {  	[tilespmem:s16+$0x8FA0] =	vst v0;
	(pc) =	sbr.rel @p0 .LBB2_2-.Ltmp0, $4  }
0x24: {  	[tilespmem:s16+$0x8FB0] =	vst v0  }
0x25: {  	[tilespmem:s16+$0x8FC0] =	vst v0  }
0x26: {  	[tilespmem:s16+$0x8FD0] =	vst v0  }
0x27: {  	[tilespmem:s16+$0x8FE0] =	vst v0;
	s16 =	sshra.s32 s17, $0x2;
	s17 =	sadd.s32 $0x200, s17  }
0x28: {  	[tilespmem:s16+$0x8FF0] =	vst v0  }
0x29: {  	[tilespmem:s16+$0x8F80] =	vst v0  }
0x2a: {  	[tilespmem:s16+$0x8F90] =	vst v0  }
0x2b: {  	[tilespmem:s16+$0x8FA0] =	vst v0  }
0x2c: {  	[tilespmem:s16+$0x8FB0] =	vst v0  }
0x2d: {  	[tilespmem:s16+$0x8FC0] =	vst v0  }
0x2e: {  	[tilespmem:s16+$0x8FD0] =	vst v0  }
0x2f: {  	[tilespmem:s16+$0x8FE0] =	vst v0  }
0x30: {  	[spmem:s7] =	stream.linear.scatter [tilespmem:s23], [sflag:$0x5], $0x2800, $0x38;
	[tilespmem:$0x1F780] =	vst v63  }
0x31: {  	_ =	swait.ge [sflag:s18], $0x2800  }
0x32: {  	[sflag:s18] =	ssyncset.done $0x0  }
0x33: {  	[sflag:s18] =	ssyncadd.s32 $0xFFFFD800  }
0x34: {  	[spmem:s8] =	stream.linear.scatter [tilespmem:s23], [sflag:$0x5], $0x2800, $0x38;
	[tilespmem:$0x1F780] =	vst v63  }
0x35: {  	_ =	swait.ge [sflag:s18], $0x2800  }
0x36: {  	[sflag:s18] =	ssyncset.done $0x0  }
0x37: {  	[sflag:s18] =	ssyncadd.s32 $0xFFFFD800  }
0x38: {  	[spmem:s9] =	stream.linear.scatter [tilespmem:s23], [sflag:$0x5], $0x2800, $0x38;
	[tilespmem:$0x1F780] =	vst v63  }
0x39: {  	_ =	swait.ge [sflag:s18], $0x2800  }
0x3a: {  	[sflag:s18] =	ssyncset.done $0x0  }
0x3b: {  	[sflag:s18] =	ssyncadd.s32 $0xFFFFD800  }
0x3c: {  	[spmem:s10] =	stream.linear.scatter [tilespmem:s23], [sflag:$0x5], $0x2800, $0x38;
	[tilespmem:$0x1F780] =	vst v63  }
0x3d: {  	_ =	swait.ge [sflag:s18], $0x2800  }
0x3e: {  	[sflag:s18] =	ssyncset.done $0x0  }
0x3f: {  	[sflag:s18] =	ssyncadd.s32 $0xFFFFD800  }
0x40: {  	[spmem:s11] =	stream.linear.scatter [tilespmem:s23], [sflag:$0x5], $0x2800, $0x38;
	[tilespmem:$0x1F780] =	vst v63  }
0x41: {  	_ =	swait.ge [sflag:s18], $0x2800  }
0x42: {  	[sflag:s18] =	ssyncset.done $0x0  }
0x43: {  	[sflag:s18] =	ssyncadd.s32 $0xFFFFD800  }
0x44: {  	[spmem:s12] =	stream.linear.scatter [tilespmem:s23], [sflag:$0x5], $0x2800, $0x38;
	[tilespmem:$0x1F780] =	vst v63  }
0x45: {  	_ =	swait.ge [sflag:s18], $0x2800  }
0x46: {  	[sflag:s18] =	ssyncset.done $0x0  }
0x47: {  	[sflag:s18] =	ssyncadd.s32 $0xFFFFD800  }
0x48: {  	[spmem:s13] =	stream.linear.scatter [tilespmem:s23], [sflag:$0x5], $0x2800, $0x38;
	[tilespmem:$0x1F780] =	vst v63  }
0x49: {  	_ =	swait.ge [sflag:s18], $0x2800  }
0x4a: {  	[sflag:s18] =	ssyncset.done $0x0  }
0x4b: {  	[sflag:s18] =	ssyncadd.s32 $0xFFFFD800  }
0x4c: {  	[spmem:s14] =	stream.linear.scatter [tilespmem:s23], [sflag:$0x5], $0x2800, $0x38;
	[tilespmem:$0x1F780] =	vst v63  }
0x4d: {  	_ =	swait.ge [sflag:s18], $0x2800  }
0x4e: {  	[sflag:s18] =	ssyncset.done $0x0  }
0x4f: {  	[sflag:s18] =	ssyncadd.s32 $0xFFFFD800  }
0x50: {  	[bflag:$0x0] =	sbarrier.arrive $0xFFFF  }
0x51: {  	_ =	swait.ge [sflag:s25], $0x1400  }
0x52: {  	[sflag:s25] =	ssyncset.done $0x0  }
0x53: {  	[sflag:s25] =	ssyncadd.s32 $0xFFFFEC00  }
0x54: {  	_ =	swait.ge [sflag:s26], $0x1400  }
0x55: {  	[sflag:s26] =	ssyncset.done $0x0  }
0x56: {  	s17 =	simm.s32 $0x50;
	[sflag:s26] =	ssyncadd.s32 $0xFFFFEC00  }
0x57: {  	[tilespmem:s23], [sflag:$0x3] =	stream.indirect.gather [hbm4b:s4+s20], $0x80, s17, s20, $0xb8;
	[tilespmem:$0x1F780] =	vst v63  }
0x58: {  	s19 =	simm.s32 $0x78  }
0x59: {  	[tilespmem:s28], [sflag:$0x4] =	stream.indirect.gather [hbm4b:s4+s20], $0x80, s19, s20, $0xb8;
	[tilespmem:$0x1F780] =	vst v63  }
0x5a: {  	s16 =	simm.s32 $0x2780  }
0x5b: {  	[spmem:s2] =	stream.indirect.scatter.add.f32 [tilespmem:s21], [sflag:$0x5], $0x80, s16, s29, $0xb8;
	[tilespmem:$0x1F780] =	vst v63  }
0x5c: {  	_ =	swait.ge [sflag:s18], $0x2800  }
0x5d: {  	[sflag:s18] =	ssyncset.done $0x0  }
0x5e: {  	[sflag:s18] =	ssyncadd.s32 $0xFFFFD800  }
0x5f: {  	_ =	swait.ge [sflag:s30], $0x1400  }
0x60: {  	[sflag:s30] =	ssyncset.done $0x0  }
0x61: {  	[sflag:s30] =	ssyncadd.s32 $0xFFFFEC00  }
0x62: {  	_ =	swait.ge [sflag:s31], $0x1400  }
0x63: {  	[sflag:s31] =	ssyncset.done $0x0  }
0x64: {  	s17 =	simm.s32 $0xA0;
	[sflag:s31] =	ssyncadd.s32 $0xFFFFEC00  }
0x65: {  	[tilespmem:s21], [sflag:$0x1] =	stream.indirect.gather [hbm4b:s4+s20], $0x80, s17, s20, $0xb8;
	[tilespmem:$0x1F780] =	vst v63  }
0x66: {  	s1 =	simm.s32 $0xC8  }
0x67: {  	[tilespmem:s22], [sflag:$0x2] =	stream.indirect.gather [hbm4b:s4+s20], $0x80, s1, s20, $0xb8;
	[tilespmem:$0x1F780] =	vst v63  }
0x68: {  	s19 =	simm.s32 $0x2800  }
0x69: {  	[spmem:s2] =	stream.indirect.scatter.add.f32 [tilespmem:s23], [sflag:$0x5], $0x80, s19, s29, $0xb8;
	[tilespmem:$0x1F780] =	vst v63  }
0x6a: {  	_ =	swait.ge [sflag:s18], $0x2800  }
0x6b: {  	s17 =	simm.s32 $0x280;
	[sflag:s18] =	ssyncset.done $0x0  }
.LBB2_4:
0x6c: {  	p0 =	sne.s32 s17, $0x9880;
	[sflag:s18] =	ssyncadd.s32 $0xFFFFD800;
	s16 =	sadd.s32 $0x100, s16  }
0x6d: {  	s19 =	smov.u32 s17;
	s17 =	sadd.s32 $0x280, s17  }
0x6e: {  	_ =	swait.ge [sflag:s25], $0x1400  }
0x6f: {  	[sflag:s25] =	ssyncset.done $0x0  }
0x70: {  	[sflag:s25] =	ssyncadd.s32 $0xFFFFEC00  }
0x71: {  	_ =	swait.ge [sflag:s26], $0x1400  }
0x72: {  	s19 =	sshra.s32 s19, $0x2;
	[sflag:s26] =	ssyncset.done $0x0  }
0x73: {  	s1 =	sadd.s32 $0x50, s19;
	[sflag:s26] =	ssyncadd.s32 $0xFFFFEC00  }
0x74: {  	[tilespmem:s23], [sflag:$0x3] =	stream.indirect.gather [hbm4b:s4+s20], $0x80, s1, s20, $0xb8;
	[tilespmem:$0x1F780] =	vst v63  }
0x75: {  	s1 =	sadd.s32 $0x78, s19  }
0x76: {  	[tilespmem:s28], [sflag:$0x4] =	stream.indirect.gather [hbm4b:s4+s20], $0x80, s1, s20, $0xb8;
	[tilespmem:$0x1F780] =	vst v63  }
0x77: {  	_ = 	snop  }
0x78: {  	[spmem:s2] =	stream.indirect.scatter.add.f32 [tilespmem:s21], [sflag:$0x5], $0x80, s16, s29, $0xb8;
	[tilespmem:$0x1F780] =	vst v63  }
0x79: {  	_ =	swait.ge [sflag:s18], $0x2800  }
0x7a: {  	[sflag:s18] =	ssyncset.done $0x0  }
0x7b: {  	[sflag:s18] =	ssyncadd.s32 $0xFFFFD800  }
0x7c: {  	_ =	swait.ge [sflag:s30], $0x1400  }
0x7d: {  	[sflag:s30] =	ssyncset.done $0x0  }
0x7e: {  	[sflag:s30] =	ssyncadd.s32 $0xFFFFEC00  }
0x7f: {  	_ =	swait.ge [sflag:s31], $0x1400  }
0x80: {  	[sflag:s31] =	ssyncset.done $0x0  }
0x81: {  	s1 =	sadd.s32 $0xA0, s19;
	[sflag:s31] =	ssyncadd.s32 $0xFFFFEC00  }
0x82: {  	[tilespmem:s21], [sflag:$0x1] =	stream.indirect.gather [hbm4b:s4+s20], $0x80, s1, s20, $0xb8;
	[tilespmem:$0x1F780] =	vst v63  }
0x83: {  	s1 =	sadd.s32 $0xC8, s19  }
0x84: {  	[tilespmem:s22], [sflag:$0x2] =	stream.indirect.gather [hbm4b:s4+s20], $0x80, s1, s20, $0xb8;
	[tilespmem:$0x1F780] =	vst v63  }
.Ltmp1:
0x85: {  	_ = 	snop;
	(pc) =	sbr.rel @p0 .LBB2_4-.Ltmp1, $4  }
0x86: {  	s1 =	sadd.s32 $0x80, s16  }
0x87: {  	[spmem:s2] =	stream.indirect.scatter.add.f32 [tilespmem:s23], [sflag:$0x5], $0x80, s1, s29, $0xb8;
	[tilespmem:$0x1F780] =	vst v63  }
0x88: {  	_ =	swait.ge [sflag:s18], $0x2800  }
0x89: {  	[sflag:s18] =	ssyncset.done $0x0  }
0x8a: {  	[sflag:s18] =	ssyncadd.s32 $0xFFFFD800  }
0x8b: {  	_ =	swait.ge [sflag:s25], $0x1400  }
0x8c: {  	[sflag:s25] =	ssyncset.done $0x0  }
0x8d: {  	[sflag:s25] =	ssyncadd.s32 $0xFFFFEC00  }
0x8e: {  	_ =	swait.ge [sflag:s26], $0x1400  }
0x8f: {  	[sflag:s26] =	ssyncset.done $0x0  }
0x90: {  	s1 =	simm.s32 $0x6580;
	[sflag:s26] =	ssyncadd.s32 $0xFFFFEC00  }
0x91: {  	[spmem:s2] =	stream.indirect.scatter.add.f32 [tilespmem:s21], [sflag:$0x5], $0x80, s1, s29, $0xb8;
	[tilespmem:$0x1F780] =	vst v63  }
0x92: {  	s19 =	stileid.u32;
	_ =	swait.ge [sflag:s18], $0x2800  }
0x93: {  	s16 =	sshrl.u32 s7, $0x3;
	s0 =	sadd.s32 $0x1, s0;
	[sflag:s18] =	ssyncset.done $0x0  }
0x94: {  	p0 =	sne.s32 s0, s15;
	s1 =	sshll.u32 s19, $0x6;
	[sflag:s18] =	ssyncadd.s32 $0xFFFFD800  }
.Ltmp2:
0x95: {  	s1 =	sor.u32 $0x1C05, s1;
	[bflag:$0x0] =	sbarrier.arrive $0xFFFF;
	(pc) =	sbr.rel @p0 .LBB2_1-.Ltmp2, $4  }
0x96: {  	[hbm:s24], [sflag:s1] =	dma.local [spmem:s16], $0x2800  }
0x97: {  	_ =	swait.ge [sflag:s18], $0x2800  }
0x98: {  	[sflag:s18] =	ssyncset.done $0x0  }
0x99: {  	[sflag:s18] =	ssyncadd.s32 $0xFFFFD800  }
0x9a: {  	_ =	sfence.sel $0x180000  }
0x9b: {  	[bflag:$0x0] =	sbarrier.arrive $0xFFFF  }
0x9c: {  	_ =	strace $0x9000004A  }
0x9d: {  	s0 =	stileid.u32;
	[bflag:$0x2] =	sbarrier.arrive $0xFFFF  }
0x9e: {  	p0 =	sne.s32 s0, $0x0;
	s0 =	rddreg [dreg:$0x3]  }
0x9f: {  	s0 =	sadd.s32 @!p0 $0x100000, s0  }
0xa0: {  	[sflag:s0] =	ssyncadd.tile.s32 @!p0 $0x1;
	_ =	shalt  }
.Lfunc_end2:
_tile_overlayer_lowered:
.L_overlay_start_2:
0xa1: {  	(tag) =	ssettag $0x2  }
0xa2: {  	s0 =	rddreg [dreg:$0x0];
	s2 =	stileid.u32  }
0xa3: {  	s1 =	rddreg [dreg:$0x1];
	p0 =	sne.s32 s2, $0x0  }
0xa4: {  	s3 =	rddreg [dreg:$0x2];
	[bflag:$0x3] =	sbarrier.arrive $0xFFFF;
	s2 =	simm.s32 @!p0 $0x1C05  }
0xa5: {  	[timem:s3], [sflag:s2] =	dma.local @!p0 [hbm:s0], s1  }
0xa6: {  	s0 =	simm.s32 @!p0 $0x5  }
0xa7: {  	_ =	swait.ge @!p0 [sflag:s0], s1  }
0xa8: {  	s1 =	ssub.s32 @!p0 $0x0, s1;
	[sflag:s0] =	ssyncset.done @!p0 $0x0  }
0xa9: {  	[sflag:s0] =	ssyncadd.s32 @!p0 s1  }
0xaa: {  	[bflag:$0x3] =	sbarrier.arrive $0xFFFF  }
0xab: {  	_ =	shalt  }

// kernel: kernel.15.cloned.1.call-start
scs
__scs_entry_jumppad:
0x0: {  	(pc) =	sbr.rel $0x88, $3  }
0x1: {  	(tag) =	ssettag $0x0;
	lr =	simm.s32 $0x1  }
0x2: {  	[smem:$0x3F9B] =	sst lr;
	_ =	strace $0xD0000000  }
0x3: {  	_ = 	snop  }
0x4: {  	_ = 	snop  }
0x5: {  	_ = 	snop  }
0x6: {  	_ = 	snop  }
0x7: {  	_ = 	snop  }
__scs_overlays_trampoline_lowered:
0x8: {  	[smem:$0x3FAA] =	sst s0  }
0x9: {  	[smem:$0x3FAB] =	sst s1  }
0xa: {  	[smem:$0x3FAC] =	sst s2  }
0xb: {  	[smem:$0x3FAD] =	sst s3  }
0xc: {  	[smem:$0x3FAE] =	sst s4  }
0xd: {  	[smem:$0x3FAF] =	sst s5  }
0xe: {  	[smem:$0x3FB0] =	sst s6  }
0xf: {  	[smem:$0x3FB1] =	sst s7  }
0x10: {  	[smem:$0x3FB2] =	sst s8  }
0x11: {  	[smem:$0x3FB3] =	sst s9;
	s0 =	simm.s32 @!p0 $0x0  }
0x12: {  	s1 =	sld [smem:$0x3F99];
	s0 =	simm.s32 @p0 $0x1  }
0x13: {  	[smem:$0x3FB4] =	sst s0;
	s0 =	simm.s32 @!p1 $0x0  }
0x14: {  	s2 =	sld [smem:$0x3F98];
	s0 =	simm.s32 @p1 $0x1  }
0x15: {  	[smem:$0x3FB5] =	sst s0;
	s0 =	simm.s32 @!p2 $0x0  }
0x16: {  	s3 =	sld [smem:$0x3FDB];
	s0 =	simm.s32 @p2 $0x1  }
0x17: {  	s4 =	simm.s32 $0x1BF5;
	[smem:$0x3FB7] =	sst s0  }
0x18: {  	s0 =	sld [smem:$0x3F9A];
	_ =	swait.ge [sflag:s4], $0x0  }
0x19: {  	s7 =	sld [smem:$0x3F9B]  }
0x1a: {  	s8 =	sadd.s32 $0xFFFFE003, lr  }
0x1b: {  	s9 =	sadd.s32 $0xFFFFFEF7, lr;
	s5 =	simm.s32 $0xFFFFFFFF;
	p2 =	slt.u32 s8, $0xFFFFF086  }
0x1c: {  	p1 =	slt.u32 s9, $0xF7A;
	s5 =	simm.s32 @!p2 $0x0  }
0x1d: {  	s5 =	simm.s32 @p1 $0x1;
	p0 =	seq.s32 s7, s2  }
0x1e: {  	s7 =	smul.u32 @!p0 $0xF7A, s2;
	p2 =	seq.s32 @!p0 s5, $0x0  }
0x1f: {  	s9 =	smul.u32 $0xF7A, s1;
	s8 =	simm.s32 @!p0 $0x1BF5;
	p2 =	por !p2, p0  }
0x20: {  	[sflag:s8] =	ssyncset.s32 @!p0 $0xFFFFF086;
	s6 =	sadd.s32 @!p0 s3, s7;
	s7 =	simm.s32 @!p0 $0x108  }
0x21: {  	s3 =	sadd.s32 s3, s9;
	s6 =	sadd.s32 @!p0 $0x88, s6;
	s7 =	simm.s32 @p2 $0x1082  }
0x22: {  	[simem:s7], [sflag:s8] =	dma.local @!p0 [hbm:s6], $0xF7A  }
0x23: {  	s9 =	sor.u32 $0xD0000000, s2;
	s6 =	simm.s32 $0x108;
	_ =	swait.ge @!p0 [sflag:s8], $0x0  }
0x24: {  	s3 =	sadd.s32 $0x88, s3;
	s6 =	simm.s32 @!p1 $0x1082;
	[sflag:s4] =	ssyncset.s32 $0xFFFFF086  }
0x25: {  	[simem:s6], [sflag:s4] =	dma.local [hbm:s3], $0xF7A  }
0x26: {  	[smem:$0x3F9B] =	sst s1;
	(tag) =	ssettag s2;
	_ =	strace s9  }
0x27: {  	s1 =	sld [smem:$0x3FAB]  }
0x28: {  	s2 =	sld [smem:$0x3FAC]  }
0x29: {  	s4 =	sld [smem:$0x3FAE]  }
0x2a: {  	p0 =	seq.s32 s5, $0x0;
	s5 =	sld [smem:$0x3FAF]  }
0x2b: {  	s6 =	sld [smem:$0x3FB0]  }
0x2c: {  	s7 =	sld [smem:$0x3FB1]  }
0x2d: {  	s3 =	simm.s32 $0x108;
	s8 =	sld [smem:$0x3FB2]  }
0x2e: {  	s3 =	simm.s32 @!p0 $0x1082;
	s9 =	sld [smem:$0x3FB3]  }
0x2f: {  	lr =	sadd.s32 s0, s3;
	s0 =	sld [smem:$0x3FAA]  }
0x30: {  	s3 =	sld [smem:$0x3FAD]  }
0x31: {  	[smem:$0x3FB6] =	sst s10  }
0x32: {  	s10 =	sld [smem:$0x3FB4];
	_ =	sdelay $0x3  }
0x33: {  	p0 =	seq.s32 s10, $0x1;
	s10 =	sld [smem:$0x3FB6];
	_ =	sdelay $0x3  }
0x34: {  	[smem:$0x3FB6] =	sst s10  }
0x35: {  	s10 =	sld [smem:$0x3FB5];
	_ =	sdelay $0x3  }
0x36: {  	p1 =	seq.s32 s10, $0x1;
	s10 =	sld [smem:$0x3FB6];
	_ =	sdelay $0x3  }
0x37: {  	[smem:$0x3FB6] =	sst s10  }
0x38: {  	s10 =	sld [smem:$0x3FB7]  }
0x39: {  	_ = 	snop;
	(pc) =	sbr.ind lr, $3  }
0x3a: {  	_ = 	snop  }
0x3b: {  	_ = 	snop  }
0x3c: {  	p2 =	seq.s32 s10, $0x1;
	s10 =	sld [smem:$0x3FB6]  }
0x3d: {  	_ =	shalt  }
0x3e: {  	_ =	shalt  }
0x3f: {  	_ =	shalt  }
0x40: {  	_ =	shalt  }
0x41: {  	_ =	shalt  }
0x42: {  	_ =	shalt  }
0x43: {  	_ =	shalt  }
0x44: {  	_ =	shalt  }
0x45: {  	_ =	shalt  }
0x46: {  	_ =	shalt  }
0x47: {  	_ =	shalt  }
0x48: {  	_ =	shalt  }
0x49: {  	_ =	shalt  }
0x4a: {  	_ =	shalt  }
0x4b: {  	_ =	shalt  }
0x4c: {  	_ =	shalt  }
0x4d: {  	_ =	shalt  }
0x4e: {  	_ =	shalt  }
0x4f: {  	_ =	shalt  }
0x50: {  	_ =	shalt  }
0x51: {  	_ =	shalt  }
0x52: {  	_ =	shalt  }
0x53: {  	_ =	shalt  }
0x54: {  	_ =	shalt  }
0x55: {  	_ =	shalt  }
0x56: {  	_ =	shalt  }
0x57: {  	_ =	shalt  }
0x58: {  	_ =	shalt  }
0x59: {  	_ =	shalt  }
0x5a: {  	_ =	shalt  }
0x5b: {  	_ =	shalt  }
0x5c: {  	_ =	shalt  }
0x5d: {  	_ =	shalt  }
0x5e: {  	_ =	shalt  }
0x5f: {  	_ =	shalt  }
0x60: {  	_ =	shalt  }
0x61: {  	_ =	shalt  }
0x62: {  	_ =	shalt  }
0x63: {  	_ =	shalt  }
0x64: {  	_ =	shalt  }
0x65: {  	_ =	shalt  }
0x66: {  	_ =	shalt  }
0x67: {  	_ =	shalt  }
0x68: {  	_ =	shalt  }
0x69: {  	_ =	shalt  }
0x6a: {  	_ =	shalt  }
0x6b: {  	_ =	shalt  }
0x6c: {  	_ =	shalt  }
0x6d: {  	_ =	shalt  }
0x6e: {  	_ =	shalt  }
0x6f: {  	_ =	shalt  }
0x70: {  	_ =	shalt  }
0x71: {  	_ =	shalt  }
0x72: {  	_ =	shalt  }
0x73: {  	_ =	shalt  }
0x74: {  	_ =	shalt  }
0x75: {  	_ =	shalt  }
0x76: {  	_ =	shalt  }
0x77: {  	_ =	shalt  }
0x78: {  	_ =	shalt  }
0x79: {  	_ =	shalt  }
0x7a: {  	_ =	shalt  }
0x7b: {  	_ =	shalt  }
0x7c: {  	_ =	shalt  }
0x7d: {  	_ =	shalt  }
0x7e: {  	_ =	shalt  }
0x7f: {  	_ =	shalt  }
0x80: {  	_ =	shalt  }
0x81: {  	_ =	shalt  }
0x82: {  	_ =	shalt  }
0x83: {  	_ =	shalt  }
0x84: {  	_ =	shalt  }
0x85: {  	_ =	shalt  }
0x86: {  	_ =	shalt  }
0x87: {  	_ =	shalt  }
.Lfunc_end0:
.L_simem_size_0:
called_computation.2_lowered:
.L_overlay_start_0:
0x88: {  	s2 =	sld [smem:$0x3FD9]  }
0x89: {  	s3 =	sld [smem:$0x3FFE];
	_ =	sdelay $0x1  }
0x8a: {  	s1 =	srdreg.scid  }
0x8b: {  	s0 =	sand.u32 $0x1, s1  }
0x8c: {  	s17 =	sshll.u32 s0, $0xA;
	s2 =	sadd.s32 s3, s2  }
0x8d: {  	s2 =	sadd.s32 s2, s17  }
0x8e: {  	[smem:$0x3FC2] =	sst s2  }
0x8f: {  	_ = 	snop  }
0x90: {  	s2 =	sld [smem:$0x3FD0];
	(tm) =	ssettm $0x1  }
0x91: {  	s18 =	sld [smem:$0x3FFB];
	_ =	sdelay $0x3  }
0x92: {  	_ =	strace s18  }
0x93: {  	s3 =	sld [smem:$0x3FFC];
	_ =	sdelay $0x3  }
0x94: {  	_ =	strace s3  }
0x95: {  	s3 =	sld [smem:$0x3FFD];
	_ =	sdelay $0x3  }
0x96: {  	_ =	strace s3  }
0x97: {  	_ =	strace $0x8FFFFFFF  }
0x98: {  	s19 =	sld [smem:$0x3FDB];
	_ =	sdelay $0x1  }
0x99: {  	s4 =	simm.s32 $_scs_section_size  }
0x9a: {  	s5 =	simm.s32 $_size__tile_overlayer_lowered;
	s6 =	simm.s32 $_tile_overlayer_lowered  }
0x9b: {  	s22 =	simm.s32 $0x1BFF;
	s21 =	sshll.u32 s6, $0x1;
	s3 =	sadd.s32 s4, s19  }
0x9c: {  	s7 =	simm.s32 $0x0;
	s20 =	sshll.u32 s5, $0x1;
	s5 =	sadd.s32 s21, s3  }
0x9d: {  	[timem:s7], [sflag:s22] =	dma.local [hbm:s5], s20  }
0x9e: {  	_ =	swait.ge [sflag:s22], s20  }
0x9f: {  	s4 =	ssub.s32 $0x0, s20;
	[sflag:s22] =	ssyncset.done $0x0  }
0xa0: {  	[sflag:s22] =	ssyncadd.s32 s4;
	_ =	sdelay $0x1  }
0xa1: {  	s23 =	simm.s32 $0x1B8B  }
0xa2: {  	_ =	swait.ge [sflag:s23], $0x1  }
0xa3: {  	[sflag:s23] =	ssyncset.done $0x0  }
0xa4: {  	s25 =	simm.s32 $0x1B8E;
	s24 =	sld [smem:$0x3FFE];
	[sflag:s23] =	ssyncadd.s32 $0xFFFFFFFF  }
0xa5: {  	s26 =	simm.s32 $execute0_lowered;
	[smem:$0x3FD2] =	sst s25  }
0xa6: {  	s5 =	sshll.u32 s26, $0x1;
	_ =	strace $0x8000004C;
	[dreg:$0x1] =	wrdreg $0xFFFFFFFF  }
0xa7: {  	s28 =	simm.s32 $_size_execute0_lowered;
	s3 =	sadd.s32 s3, s5;
	[dreg:$0x0] =	wrdreg $0x0  }
0xa8: {  	s5 =	sshll.u32 s28, $0x1;
	[dreg:$0x2] =	wrdreg s3  }
0xa9: {  	[dreg:$0x3] =	wrdreg s5  }
0xaa: {  	[dreg:$0x4] =	wrdreg $0xC0  }
0xab: {  	_ =	task [dreg:s7], $0x5FFFF  }
0xac: {  	[dreg:$0x1] =	wrdreg $0xFFFFFFFF  }
0xad: {  	[dreg:$0x0] =	wrdreg $0x60  }
0xae: {  	[dreg:$0x2] =	wrdreg s24  }
0xaf: {  	[dreg:$0x3] =	wrdreg s2  }
0xb0: {  	[dreg:$0x4] =	wrdreg $0xB7800  }
0xb1: {  	[dreg:$0x5] =	wrdreg $0x9  }
0xb2: {  	_ =	task.clear_ibuf [dreg:s7], $0x6FFFF;
	_ =	strace $0x9000004C  }
0xb3: {  	s29 =	simm.s32 $0x9;
	_ =	strace $0x8000004E  }
0xb4: {  	_ =	swait.ge [sflag:s29], $0x1  }
0xb5: {  	[sflag:s29] =	ssyncadd.s32 $0xFFFFFFFF  }
0xb6: {  	_ =	strace $0x9000004E  }
0xb7: {  	_ =	sfence  }
0xb8: {  	s30 =	sld [smem:$0x0];
	_ =	sdelay $0x2  }
0xb9: {  	s31 =	sshll.u32 s1, $0xD;
	s1 =	sshrl.u32 s1, $0x2  }
0xba: {  	s3 =	sand.u32 $0x4000, s31;
	s1 =	sadd.s32 s1, s30  }
0xbb: {  	s0 =	sor.u32 s3, s0;
	s1 =	sshll.u32 s1, $0x11  }
0xbc: {  	s0 =	sor.u32 s1, s0  }
0xbd: {  	s0 =	sadd.s32 $0x8F2B, s0  }
0xbe: {  	[sflag:s0] =	ssyncadd.remote.s32 $0x1  }
0xbf: {  	_ =	sfence.sel $0xFFFF  }
0xc0: {  	[dreg:$0x0] =	wrdreg $0xFFFFFFFF;
	(pc) =	sbr.abs _section_cstart, $3  }
0xc1: {  	[dreg:$0x1] =	wrdreg $0xFFFFFFFF  }
0xc2: {  	_ =	task.clear_ibuf [dreg:s7], $0x2FFFF;
	_ =	strace $0x9FFFFFFF  }
0xc3: {  	(tm) =	ssettm $0x7FFFFFFF  }
tec
execute0_lowered:
.L_overlay_start_1:
0x0: {  	(tag) =	ssettag $0x1  }
0x1: {  	s0 =	srdreg.scid;
	s1 =	rddreg [dreg:$0x0]  }
0x2: {  	s16 =	stileid.u32;
	s5 =	rddreg [dreg:$0x1]  }
0x3: {  	s2 =	rddreg [dreg:$0x2];
	s18 =	simm.s32 $0x5;
	s20 =	simm.s32 $0x28  }
0x4: {  	s21 =	simm.s32 $0x6780;
	s28 =	simm.s32 $0xA380;
	s29 =	simm.s32 $0x50  }
0x5: {  	s30 =	simm.s32 $0x3;
	s31 =	simm.s32 $0x4;
	s10 =	smul.u32 $0x50000, s16  }
0x6: {  	s0 =	sand.u32 $0x1, s0;
	s3 =	sshrl.u32 s16, $0x3;
	s26 =	smul.u32 $0x2800, s16  }
0x7: {  	s7 =	sshll.u32 s16, $0x7;
	s23 =	sshll.u32 s16, $0xB;
	s4 =	smul.u32 $0x27800, s0  }
0x8: {  	s6 =	smul.u32 $0x13C00, s3;
	s3 =	simm.s32 $0x0;
	s7 =	sand.u32 $0x380, s7  }
0x9: {  	s22 =	smul.u32 $0x28000, s0;
	s8 =	ssub.s32 $0x2, s0;
	s0 =	sshll.u32 s0, $0xF  }
0xa: {  	[smem:$0x7FF] =	sst s3;
	s9 =	sshrl.u32 s8, $0x1;
	s24 =	sshrl.u32 s10, $0x2  }
0xb: {  	s6 =	sadd.s32 s4, s6;
	_ =	strace $0x8000004D;
	s4 =	sadd.s32 $0x16E00, s1  }
0xc: {  	s15 =	ssub.s32 s8, s9;
	s6 =	sor.u32 s7, s6;
	s7 =	sadd.s32 s5, s23  }
0xd: {  	s15 =	smax.u32 s15, $0x1;
	s23 =	simm.s32 $0x8F80;
	s6 =	sshrl.u32 s6, $0x3  }
0xe: {  	s6 =	sadd.s32 s6, s1;
	s1 =	sadd.s32 s22, s1;
	s22 =	simm.s32 $0x7B80  }
0xf: {  	s5 =	sadd.s32 $0xD000, s6;
	s6 =	sadd.s32 s0, s7;
	s7 =	sadd.s32 s24, s2  }
0x10: {  	s25 =	sadd.s32 $0x3EE00, s1;
	s0 =	simm.s32 $0x0;
	s8 =	sadd.s32 $0x2800, s7  }
0x11: {  	s9 =	sadd.s32 $0x5000, s7;
	s10 =	sadd.s32 $0x7800, s7;
	s11 =	sadd.s32 $0xA000, s7  }
0x12: {  	s12 =	sadd.s32 $0xC800, s7;
	s13 =	sadd.s32 $0xF000, s7;
	s14 =	sadd.s32 $0x11800, s7  }
0x13: {  	v0 =	vimm.f32 $0.0e+00;
	s24 =	sadd.s32 s26, s25;
	s25 =	simm.s32 $0x1;
	s26 =	simm.s32 $0x2  }
.LBB2_1:
0x14: {  	s1 =	simm.s32 $0x80;
	s16 =	simm.s32 $0x400  }
0x15: {  	[tilespmem:s3], [sflag:$0x5] =	stream.strided.gather [hbm4b:s5+s1], $0x2780, s16, s1, $0x38;
	[tilespmem:$0x1F780] =	vst v63  }
0x16: {  	_ =	swait.ge [sflag:s18], $0x2780  }
0x17: {  	[sflag:s18] =	ssyncset.done $0x0  }
0x18: {  	s19 =	simm.s32 $0x2780;
	[sflag:s18] =	ssyncadd.s32 $0xFFFFD880  }
0x19: {  	[tilespmem:s19], [sflag:$0x5] =	stream.linear.gather [hbm4b:s6+s3], $0x3E80, $0x38;
	[tilespmem:$0x1F780] =	vst v63  }
0x1a: {  	_ =	swait.ge [sflag:s18], $0x3E80  }
0x1b: {  	[sflag:s18] =	ssyncset.done $0x0  }
0x1c: {  	[sflag:s18] =	ssyncadd.s32 $0xFFFFC180  }
0x1d: {  	[tilespmem:s21], [sflag:$0x1] =	stream.indirect.gather [hbm4b:s4+s20], $0x80, s3, s20, $0xb8;
	[tilespmem:$0x1F780] =	vst v63  }
0x1e: {  	s17 =	simm.s32 $0x200;
	s16 =	simm.s32 $0x0  }
0x1f: {  	[tilespmem:s22], [sflag:$0x2] =	stream.indirect.gather [hbm4b:s4+s20], $0x80, s20, s20, $0xb8;
	[tilespmem:$0x1F780] =	vst v63  }
.LBB2_2:
0x20: {  	p0 =	sne.s32 s17, $0x9E00;
	[tilespmem:s16+$0x8FF0] =	vst v0  }
0x21: {  	[tilespmem:s16+$0x8F80] =	vst v0  }
0x22: {  	[tilespmem:s16+$0x8F90] =	vst v0  }
.Ltmp0:
0x23: {  	[tilespmem:s16+$0x8FA0] =	vst v0;
	(pc) =	sbr.rel @p0 .LBB2_2-.Ltmp0, $4  }
0x24: {  	[tilespmem:s16+$0x8FB0] =	vst v0  }
0x25: {  	[tilespmem:s16+$0x8FC0] =	vst v0  }
0x26: {  	[tilespmem:s16+$0x8FD0] =	vst v0  }
0x27: {  	[tilespmem:s16+$0x8FE0] =	vst v0;
	s16 =	sshra.s32 s17, $0x2;
	s17 =	sadd.s32 $0x200, s17  }
0x28: {  	[tilespmem:s16+$0x8FF0] =	vst v0  }
0x29: {  	[tilespmem:s16+$0x8F80] =	vst v0  }
0x2a: {  	[tilespmem:s16+$0x8F90] =	vst v0  }
0x2b: {  	[tilespmem:s16+$0x8FA0] =	vst v0  }
0x2c: {  	[tilespmem:s16+$0x8FB0] =	vst v0  }
0x2d: {  	[tilespmem:s16+$0x8FC0] =	vst v0  }
0x2e: {  	[tilespmem:s16+$0x8FD0] =	vst v0  }
0x2f: {  	[tilespmem:s16+$0x8FE0] =	vst v0  }
0x30: {  	[spmem:s7] =	stream.linear.scatter [tilespmem:s23], [sflag:$0x5], $0x2800, $0x38;
	[tilespmem:$0x1F780] =	vst v63  }
0x31: {  	_ =	swait.ge [sflag:s18], $0x2800  }
0x32: {  	[sflag:s18] =	ssyncset.done $0x0  }
0x33: {  	[sflag:s18] =	ssyncadd.s32 $0xFFFFD800  }
0x34: {  	[spmem:s8] =	stream.linear.scatter [tilespmem:s23], [sflag:$0x5], $0x2800, $0x38;
	[tilespmem:$0x1F780] =	vst v63  }
0x35: {  	_ =	swait.ge [sflag:s18], $0x2800  }
0x36: {  	[sflag:s18] =	ssyncset.done $0x0  }
0x37: {  	[sflag:s18] =	ssyncadd.s32 $0xFFFFD800  }
0x38: {  	[spmem:s9] =	stream.linear.scatter [tilespmem:s23], [sflag:$0x5], $0x2800, $0x38;
	[tilespmem:$0x1F780] =	vst v63  }
0x39: {  	_ =	swait.ge [sflag:s18], $0x2800  }
0x3a: {  	[sflag:s18] =	ssyncset.done $0x0  }
0x3b: {  	[sflag:s18] =	ssyncadd.s32 $0xFFFFD800  }
0x3c: {  	[spmem:s10] =	stream.linear.scatter [tilespmem:s23], [sflag:$0x5], $0x2800, $0x38;
	[tilespmem:$0x1F780] =	vst v63  }
0x3d: {  	_ =	swait.ge [sflag:s18], $0x2800  }
0x3e: {  	[sflag:s18] =	ssyncset.done $0x0  }
0x3f: {  	[sflag:s18] =	ssyncadd.s32 $0xFFFFD800  }
0x40: {  	[spmem:s11] =	stream.linear.scatter [tilespmem:s23], [sflag:$0x5], $0x2800, $0x38;
	[tilespmem:$0x1F780] =	vst v63  }
0x41: {  	_ =	swait.ge [sflag:s18], $0x2800  }
0x42: {  	[sflag:s18] =	ssyncset.done $0x0  }
0x43: {  	[sflag:s18] =	ssyncadd.s32 $0xFFFFD800  }
0x44: {  	[spmem:s12] =	stream.linear.scatter [tilespmem:s23], [sflag:$0x5], $0x2800, $0x38;
	[tilespmem:$0x1F780] =	vst v63  }
0x45: {  	_ =	swait.ge [sflag:s18], $0x2800  }
0x46: {  	[sflag:s18] =	ssyncset.done $0x0  }
0x47: {  	[sflag:s18] =	ssyncadd.s32 $0xFFFFD800  }
0x48: {  	[spmem:s13] =	stream.linear.scatter [tilespmem:s23], [sflag:$0x5], $0x2800, $0x38;
	[tilespmem:$0x1F780] =	vst v63  }
0x49: {  	_ =	swait.ge [sflag:s18], $0x2800  }
0x4a: {  	[sflag:s18] =	ssyncset.done $0x0  }
0x4b: {  	[sflag:s18] =	ssyncadd.s32 $0xFFFFD800  }
0x4c: {  	[spmem:s14] =	stream.linear.scatter [tilespmem:s23], [sflag:$0x5], $0x2800, $0x38;
	[tilespmem:$0x1F780] =	vst v63  }
0x4d: {  	_ =	swait.ge [sflag:s18], $0x2800  }
0x4e: {  	[sflag:s18] =	ssyncset.done $0x0  }
0x4f: {  	[sflag:s18] =	ssyncadd.s32 $0xFFFFD800  }
0x50: {  	[bflag:$0x0] =	sbarrier.arrive $0xFFFF  }
0x51: {  	_ =	swait.ge [sflag:s25], $0x1400  }
0x52: {  	[sflag:s25] =	ssyncset.done $0x0  }
0x53: {  	[sflag:s25] =	ssyncadd.s32 $0xFFFFEC00  }
0x54: {  	_ =	swait.ge [sflag:s26], $0x1400  }
0x55: {  	[sflag:s26] =	ssyncset.done $0x0  }
0x56: {  	s17 =	simm.s32 $0x50;
	[sflag:s26] =	ssyncadd.s32 $0xFFFFEC00  }
0x57: {  	[tilespmem:s23], [sflag:$0x3] =	stream.indirect.gather [hbm4b:s4+s20], $0x80, s17, s20, $0xb8;
	[tilespmem:$0x1F780] =	vst v63  }
0x58: {  	s19 =	simm.s32 $0x78  }
0x59: {  	[tilespmem:s28], [sflag:$0x4] =	stream.indirect.gather [hbm4b:s4+s20], $0x80, s19, s20, $0xb8;
	[tilespmem:$0x1F780] =	vst v63  }
0x5a: {  	s16 =	simm.s32 $0x2780  }
0x5b: {  	[spmem:s2] =	stream.indirect.scatter.add.f32 [tilespmem:s21], [sflag:$0x5], $0x80, s16, s29, $0xb8;
	[tilespmem:$0x1F780] =	vst v63  }
0x5c: {  	_ =	swait.ge [sflag:s18], $0x2800  }
0x5d: {  	[sflag:s18] =	ssyncset.done $0x0  }
0x5e: {  	[sflag:s18] =	ssyncadd.s32 $0xFFFFD800  }
0x5f: {  	_ =	swait.ge [sflag:s30], $0x1400  }
0x60: {  	[sflag:s30] =	ssyncset.done $0x0  }
0x61: {  	[sflag:s30] =	ssyncadd.s32 $0xFFFFEC00  }
0x62: {  	_ =	swait.ge [sflag:s31], $0x1400  }
0x63: {  	[sflag:s31] =	ssyncset.done $0x0  }
0x64: {  	s17 =	simm.s32 $0xA0;
	[sflag:s31] =	ssyncadd.s32 $0xFFFFEC00  }
0x65: {  	[tilespmem:s21], [sflag:$0x1] =	stream.indirect.gather [hbm4b:s4+s20], $0x80, s17, s20, $0xb8;
	[tilespmem:$0x1F780] =	vst v63  }
0x66: {  	s1 =	simm.s32 $0xC8  }
0x67: {  	[tilespmem:s22], [sflag:$0x2] =	stream.indirect.gather [hbm4b:s4+s20], $0x80, s1, s20, $0xb8;
	[tilespmem:$0x1F780] =	vst v63  }
0x68: {  	s19 =	simm.s32 $0x2800  }
0x69: {  	[spmem:s2] =	stream.indirect.scatter.add.f32 [tilespmem:s23], [sflag:$0x5], $0x80, s19, s29, $0xb8;
	[tilespmem:$0x1F780] =	vst v63  }
0x6a: {  	_ =	swait.ge [sflag:s18], $0x2800  }
0x6b: {  	s17 =	simm.s32 $0x280;
	[sflag:s18] =	ssyncset.done $0x0  }
.LBB2_4:
0x6c: {  	p0 =	sne.s32 s17, $0x9880;
	[sflag:s18] =	ssyncadd.s32 $0xFFFFD800;
	s16 =	sadd.s32 $0x100, s16  }
0x6d: {  	s19 =	smov.u32 s17;
	s17 =	sadd.s32 $0x280, s17  }
0x6e: {  	_ =	swait.ge [sflag:s25], $0x1400  }
0x6f: {  	[sflag:s25] =	ssyncset.done $0x0  }
0x70: {  	[sflag:s25] =	ssyncadd.s32 $0xFFFFEC00  }
0x71: {  	_ =	swait.ge [sflag:s26], $0x1400  }
0x72: {  	s19 =	sshra.s32 s19, $0x2;
	[sflag:s26] =	ssyncset.done $0x0  }
0x73: {  	s1 =	sadd.s32 $0x50, s19;
	[sflag:s26] =	ssyncadd.s32 $0xFFFFEC00  }
0x74: {  	[tilespmem:s23], [sflag:$0x3] =	stream.indirect.gather [hbm4b:s4+s20], $0x80, s1, s20, $0xb8;
	[tilespmem:$0x1F780] =	vst v63  }
0x75: {  	s1 =	sadd.s32 $0x78, s19  }
0x76: {  	[tilespmem:s28], [sflag:$0x4] =	stream.indirect.gather [hbm4b:s4+s20], $0x80, s1, s20, $0xb8;
	[tilespmem:$0x1F780] =	vst v63  }
0x77: {  	_ = 	snop  }
0x78: {  	[spmem:s2] =	stream.indirect.scatter.add.f32 [tilespmem:s21], [sflag:$0x5], $0x80, s16, s29, $0xb8;
	[tilespmem:$0x1F780] =	vst v63  }
0x79: {  	_ =	swait.ge [sflag:s18], $0x2800  }
0x7a: {  	[sflag:s18] =	ssyncset.done $0x0  }
0x7b: {  	[sflag:s18] =	ssyncadd.s32 $0xFFFFD800  }
0x7c: {  	_ =	swait.ge [sflag:s30], $0x1400  }
0x7d: {  	[sflag:s30] =	ssyncset.done $0x0  }
0x7e: {  	[sflag:s30] =	ssyncadd.s32 $0xFFFFEC00  }
0x7f: {  	_ =	swait.ge [sflag:s31], $0x1400  }
0x80: {  	[sflag:s31] =	ssyncset.done $0x0  }
0x81: {  	s1 =	sadd.s32 $0xA0, s19;
	[sflag:s31] =	ssyncadd.s32 $0xFFFFEC00  }
0x82: {  	[tilespmem:s21], [sflag:$0x1] =	stream.indirect.gather [hbm4b:s4+s20], $0x80, s1, s20, $0xb8;
	[tilespmem:$0x1F780] =	vst v63  }
0x83: {  	s1 =	sadd.s32 $0xC8, s19  }
0x84: {  	[tilespmem:s22], [sflag:$0x2] =	stream.indirect.gather [hbm4b:s4+s20], $0x80, s1, s20, $0xb8;
	[tilespmem:$0x1F780] =	vst v63  }
.Ltmp1:
0x85: {  	_ = 	snop;
	(pc) =	sbr.rel @p0 .LBB2_4-.Ltmp1, $4  }
0x86: {  	s1 =	sadd.s32 $0x80, s16  }
0x87: {  	[spmem:s2] =	stream.indirect.scatter.add.f32 [tilespmem:s23], [sflag:$0x5], $0x80, s1, s29, $0xb8;
	[tilespmem:$0x1F780] =	vst v63  }
0x88: {  	_ =	swait.ge [sflag:s18], $0x2800  }
0x89: {  	[sflag:s18] =	ssyncset.done $0x0  }
0x8a: {  	[sflag:s18] =	ssyncadd.s32 $0xFFFFD800  }
0x8b: {  	_ =	swait.ge [sflag:s25], $0x1400  }
0x8c: {  	[sflag:s25] =	ssyncset.done $0x0  }
0x8d: {  	[sflag:s25] =	ssyncadd.s32 $0xFFFFEC00  }
0x8e: {  	_ =	swait.ge [sflag:s26], $0x1400  }
0x8f: {  	[sflag:s26] =	ssyncset.done $0x0  }
0x90: {  	s1 =	simm.s32 $0x6580;
	[sflag:s26] =	ssyncadd.s32 $0xFFFFEC00  }
0x91: {  	[spmem:s2] =	stream.indirect.scatter.add.f32 [tilespmem:s21], [sflag:$0x5], $0x80, s1, s29, $0xb8;
	[tilespmem:$0x1F780] =	vst v63  }
0x92: {  	s19 =	stileid.u32;
	_ =	swait.ge [sflag:s18], $0x2800  }
0x93: {  	s16 =	sshrl.u32 s7, $0x3;
	s0 =	sadd.s32 $0x1, s0;
	[sflag:s18] =	ssyncset.done $0x0  }
0x94: {  	p0 =	sne.s32 s0, s15;
	s1 =	sshll.u32 s19, $0x6;
	[sflag:s18] =	ssyncadd.s32 $0xFFFFD800  }
.Ltmp2:
0x95: {  	s1 =	sor.u32 $0x1C05, s1;
	[bflag:$0x0] =	sbarrier.arrive $0xFFFF;
	(pc) =	sbr.rel @p0 .LBB2_1-.Ltmp2, $4  }
0x96: {  	[hbm:s24], [sflag:s1] =	dma.local [spmem:s16], $0x2800  }
0x97: {  	_ =	swait.ge [sflag:s18], $0x2800  }
0x98: {  	[sflag:s18] =	ssyncset.done $0x0  }
0x99: {  	[sflag:s18] =	ssyncadd.s32 $0xFFFFD800  }
0x9a: {  	_ =	sfence.sel $0x180000  }
0x9b: {  	[bflag:$0x0] =	sbarrier.arrive $0xFFFF  }
0x9c: {  	_ =	strace $0x9000004D  }
0x9d: {  	s0 =	stileid.u32;
	[bflag:$0x2] =	sbarrier.arrive $0xFFFF  }
0x9e: {  	p0 =	sne.s32 s0, $0x0;
	s0 =	rddreg [dreg:$0x3]  }
0x9f: {  	s0 =	sadd.s32 @!p0 $0x100000, s0  }
0xa0: {  	[sflag:s0] =	ssyncadd.tile.s32 @!p0 $0x1;
	_ =	shalt  }
.Lfunc_end2:
_tile_overlayer_lowered:
.L_overlay_start_2:
0xa1: {  	(tag) =	ssettag $0x2  }
0xa2: {  	s0 =	rddreg [dreg:$0x0];
	s2 =	stileid.u32  }
0xa3: {  	s1 =	rddreg [dreg:$0x1];
	p0 =	sne.s32 s2, $0x0  }
0xa4: {  	s3 =	rddreg [dreg:$0x2];
	[bflag:$0x3] =	sbarrier.arrive $0xFFFF;
	s2 =	simm.s32 @!p0 $0x1C05  }
0xa5: {  	[timem:s3], [sflag:s2] =	dma.local @!p0 [hbm:s0], s1  }
0xa6: {  	s0 =	simm.s32 @!p0 $0x5  }
0xa7: {  	_ =	swait.ge @!p0 [sflag:s0], s1  }
0xa8: {  	s1 =	ssub.s32 @!p0 $0x0, s1;
	[sflag:s0] =	ssyncset.done @!p0 $0x0  }
0xa9: {  	[sflag:s0] =	ssyncadd.s32 @!p0 s1  }
0xaa: {  	[bflag:$0x3] =	sbarrier.arrive $0xFFFF  }
0xab: {  	_ =	shalt  }

// kernel: kernel.9.cloned.1.call-start
scs
__scs_entry_jumppad:
0x0: {  	(pc) =	sbr.rel $0x88, $3  }
0x1: {  	(tag) =	ssettag $0x0;
	lr =	simm.s32 $0x1  }
0x2: {  	[smem:$0x3F9B] =	sst lr;
	_ =	strace $0xD0000000  }
0x3: {  	_ = 	snop  }
0x4: {  	_ = 	snop  }
0x5: {  	_ = 	snop  }
0x6: {  	_ = 	snop  }
0x7: {  	_ = 	snop  }
__scs_overlays_trampoline_lowered:
0x8: {  	[smem:$0x3FAA] =	sst s0  }
0x9: {  	[smem:$0x3FAB] =	sst s1  }
0xa: {  	[smem:$0x3FAC] =	sst s2  }
0xb: {  	[smem:$0x3FAD] =	sst s3  }
0xc: {  	[smem:$0x3FAE] =	sst s4  }
0xd: {  	[smem:$0x3FAF] =	sst s5  }
0xe: {  	[smem:$0x3FB0] =	sst s6  }
0xf: {  	[smem:$0x3FB1] =	sst s7  }
0x10: {  	[smem:$0x3FB2] =	sst s8  }
0x11: {  	[smem:$0x3FB3] =	sst s9;
	s0 =	simm.s32 @!p0 $0x0  }
0x12: {  	s1 =	sld [smem:$0x3F99];
	s0 =	simm.s32 @p0 $0x1  }
0x13: {  	[smem:$0x3FB4] =	sst s0;
	s0 =	simm.s32 @!p1 $0x0  }
0x14: {  	s2 =	sld [smem:$0x3F98];
	s0 =	simm.s32 @p1 $0x1  }
0x15: {  	[smem:$0x3FB5] =	sst s0;
	s0 =	simm.s32 @!p2 $0x0  }
0x16: {  	s3 =	sld [smem:$0x3FDB];
	s0 =	simm.s32 @p2 $0x1  }
0x17: {  	s4 =	simm.s32 $0x1BF5;
	[smem:$0x3FB7] =	sst s0  }
0x18: {  	s0 =	sld [smem:$0x3F9A];
	_ =	swait.ge [sflag:s4], $0x0  }
0x19: {  	s7 =	sld [smem:$0x3F9B]  }
0x1a: {  	s8 =	sadd.s32 $0xFFFFE003, lr  }
0x1b: {  	s9 =	sadd.s32 $0xFFFFFEF7, lr;
	s5 =	simm.s32 $0xFFFFFFFF;
	p2 =	slt.u32 s8, $0xFFFFF086  }
0x1c: {  	p1 =	slt.u32 s9, $0xF7A;
	s5 =	simm.s32 @!p2 $0x0  }
0x1d: {  	s5 =	simm.s32 @p1 $0x1;
	p0 =	seq.s32 s7, s2  }
0x1e: {  	s7 =	smul.u32 @!p0 $0xF7A, s2;
	p2 =	seq.s32 @!p0 s5, $0x0  }
0x1f: {  	s9 =	smul.u32 $0xF7A, s1;
	s8 =	simm.s32 @!p0 $0x1BF5;
	p2 =	por !p2, p0  }
0x20: {  	[sflag:s8] =	ssyncset.s32 @!p0 $0xFFFFF086;
	s6 =	sadd.s32 @!p0 s3, s7;
	s7 =	simm.s32 @!p0 $0x108  }
0x21: {  	s3 =	sadd.s32 s3, s9;
	s6 =	sadd.s32 @!p0 $0x88, s6;
	s7 =	simm.s32 @p2 $0x1082  }
0x22: {  	[simem:s7], [sflag:s8] =	dma.local @!p0 [hbm:s6], $0xF7A  }
0x23: {  	s9 =	sor.u32 $0xD0000000, s2;
	s6 =	simm.s32 $0x108;
	_ =	swait.ge @!p0 [sflag:s8], $0x0  }
0x24: {  	s3 =	sadd.s32 $0x88, s3;
	s6 =	simm.s32 @!p1 $0x1082;
	[sflag:s4] =	ssyncset.s32 $0xFFFFF086  }
0x25: {  	[simem:s6], [sflag:s4] =	dma.local [hbm:s3], $0xF7A  }
0x26: {  	[smem:$0x3F9B] =	sst s1;
	(tag) =	ssettag s2;
	_ =	strace s9  }
0x27: {  	s1 =	sld [smem:$0x3FAB]  }
0x28: {  	s2 =	sld [smem:$0x3FAC]  }
0x29: {  	s4 =	sld [smem:$0x3FAE]  }
0x2a: {  	p0 =	seq.s32 s5, $0x0;
	s5 =	sld [smem:$0x3FAF]  }
0x2b: {  	s6 =	sld [smem:$0x3FB0]  }
0x2c: {  	s7 =	sld [smem:$0x3FB1]  }
0x2d: {  	s3 =	simm.s32 $0x108;
	s8 =	sld [smem:$0x3FB2]  }
0x2e: {  	s3 =	simm.s32 @!p0 $0x1082;
	s9 =	sld [smem:$0x3FB3]  }
0x2f: {  	lr =	sadd.s32 s0, s3;
	s0 =	sld [smem:$0x3FAA]  }
0x30: {  	s3 =	sld [smem:$0x3FAD]  }
0x31: {  	[smem:$0x3FB6] =	sst s10  }
0x32: {  	s10 =	sld [smem:$0x3FB4];
	_ =	sdelay $0x3  }
0x33: {  	p0 =	seq.s32 s10, $0x1;
	s10 =	sld [smem:$0x3FB6];
	_ =	sdelay $0x3  }
0x34: {  	[smem:$0x3FB6] =	sst s10  }
0x35: {  	s10 =	sld [smem:$0x3FB5];
	_ =	sdelay $0x3  }
0x36: {  	p1 =	seq.s32 s10, $0x1;
	s10 =	sld [smem:$0x3FB6];
	_ =	sdelay $0x3  }
0x37: {  	[smem:$0x3FB6] =	sst s10  }
0x38: {  	s10 =	sld [smem:$0x3FB7]  }
0x39: {  	_ = 	snop;
	(pc) =	sbr.ind lr, $3  }
0x3a: {  	_ = 	snop  }
0x3b: {  	_ = 	snop  }
0x3c: {  	p2 =	seq.s32 s10, $0x1;
	s10 =	sld [smem:$0x3FB6]  }
0x3d: {  	_ =	shalt  }
0x3e: {  	_ =	shalt  }
0x3f: {  	_ =	shalt  }
0x40: {  	_ =	shalt  }
0x41: {  	_ =	shalt  }
0x42: {  	_ =	shalt  }
0x43: {  	_ =	shalt  }
0x44: {  	_ =	shalt  }
0x45: {  	_ =	shalt  }
0x46: {  	_ =	shalt  }
0x47: {  	_ =	shalt  }
0x48: {  	_ =	shalt  }
0x49: {  	_ =	shalt  }
0x4a: {  	_ =	shalt  }
0x4b: {  	_ =	shalt  }
0x4c: {  	_ =	shalt  }
0x4d: {  	_ =	shalt  }
0x4e: {  	_ =	shalt  }
0x4f: {  	_ =	shalt  }
0x50: {  	_ =	shalt  }
0x51: {  	_ =	shalt  }
0x52: {  	_ =	shalt  }
0x53: {  	_ =	shalt  }
0x54: {  	_ =	shalt  }
0x55: {  	_ =	shalt  }
0x56: {  	_ =	shalt  }
0x57: {  	_ =	shalt  }
0x58: {  	_ =	shalt  }
0x59: {  	_ =	shalt  }
0x5a: {  	_ =	shalt  }
0x5b: {  	_ =	shalt  }
0x5c: {  	_ =	shalt  }
0x5d: {  	_ =	shalt  }
0x5e: {  	_ =	shalt  }
0x5f: {  	_ =	shalt  }
0x60: {  	_ =	shalt  }
0x61: {  	_ =	shalt  }
0x62: {  	_ =	shalt  }
0x63: {  	_ =	shalt  }
0x64: {  	_ =	shalt  }
0x65: {  	_ =	shalt  }
0x66: {  	_ =	shalt  }
0x67: {  	_ =	shalt  }
0x68: {  	_ =	shalt  }
0x69: {  	_ =	shalt  }
0x6a: {  	_ =	shalt  }
0x6b: {  	_ =	shalt  }
0x6c: {  	_ =	shalt  }
0x6d: {  	_ =	shalt  }
0x6e: {  	_ =	shalt  }
0x6f: {  	_ =	shalt  }
0x70: {  	_ =	shalt  }
0x71: {  	_ =	shalt  }
0x72: {  	_ =	shalt  }
0x73: {  	_ =	shalt  }
0x74: {  	_ =	shalt  }
0x75: {  	_ =	shalt  }
0x76: {  	_ =	shalt  }
0x77: {  	_ =	shalt  }
0x78: {  	_ =	shalt  }
0x79: {  	_ =	shalt  }
0x7a: {  	_ =	shalt  }
0x7b: {  	_ =	shalt  }
0x7c: {  	_ =	shalt  }
0x7d: {  	_ =	shalt  }
0x7e: {  	_ =	shalt  }
0x7f: {  	_ =	shalt  }
0x80: {  	_ =	shalt  }
0x81: {  	_ =	shalt  }
0x82: {  	_ =	shalt  }
0x83: {  	_ =	shalt  }
0x84: {  	_ =	shalt  }
0x85: {  	_ =	shalt  }
0x86: {  	_ =	shalt  }
0x87: {  	_ =	shalt  }
.Lfunc_end0:
.L_simem_size_0:
called_computation_lowered:
.L_overlay_start_0:
0x88: {  	s2 =	sld [smem:$0x3FD9]  }
0x89: {  	s3 =	sld [smem:$0x3FFE];
	_ =	sdelay $0x1  }
0x8a: {  	s1 =	srdreg.scid  }
0x8b: {  	s0 =	sand.u32 $0x1, s1  }
0x8c: {  	s16 =	sshll.u32 s0, $0xA;
	s2 =	sadd.s32 s3, s2  }
0x8d: {  	s2 =	sadd.s32 s2, s16  }
0x8e: {  	[smem:$0x3FC2] =	sst s2  }
0x8f: {  	_ = 	snop  }
0x90: {  	(tm) =	ssettm $0x1  }
0x91: {  	s17 =	sld [smem:$0x3FFB];
	_ =	sdelay $0x3  }
0x92: {  	_ =	strace s17  }
0x93: {  	s2 =	sld [smem:$0x3FFC];
	_ =	sdelay $0x3  }
0x94: {  	_ =	strace s2  }
0x95: {  	s2 =	sld [smem:$0x3FFD];
	_ =	sdelay $0x3  }
0x96: {  	_ =	strace s2  }
0x97: {  	_ =	strace $0x8FFFFFFF  }
0x98: {  	s18 =	sld [smem:$0x3FDB];
	_ =	sdelay $0x1  }
0x99: {  	s19 =	simm.s32 $_scs_section_size  }
0x9a: {  	s4 =	simm.s32 $_size__tile_overlayer_lowered;
	s5 =	simm.s32 $_tile_overlayer_lowered  }
0x9b: {  	s22 =	simm.s32 $0x1BFF;
	s21 =	sshll.u32 s5, $0x1;
	s2 =	sadd.s32 s19, s18  }
0x9c: {  	s6 =	simm.s32 $0x0;
	s20 =	sshll.u32 s4, $0x1;
	s4 =	sadd.s32 s21, s2  }
0x9d: {  	[timem:s6], [sflag:s22] =	dma.local [hbm:s4], s20  }
0x9e: {  	_ =	swait.ge [sflag:s22], s20  }
0x9f: {  	s3 =	ssub.s32 $0x0, s20;
	[sflag:s22] =	ssyncset.done $0x0  }
0xa0: {  	[sflag:s22] =	ssyncadd.s32 s3;
	_ =	sdelay $0x1  }
0xa1: {  	s23 =	simm.s32 $0x1B8B  }
0xa2: {  	_ =	swait.ge [sflag:s23], $0x1  }
0xa3: {  	[sflag:s23] =	ssyncset.done $0x0  }
0xa4: {  	s25 =	simm.s32 $0x1B8E;
	s24 =	sld [smem:$0x3FFE];
	[sflag:s23] =	ssyncadd.s32 $0xFFFFFFFF  }
0xa5: {  	s26 =	simm.s32 $execute0_lowered;
	[smem:$0x3FD2] =	sst s25  }
0xa6: {  	s4 =	sshll.u32 s26, $0x1;
	_ =	strace $0x80000046;
	[dreg:$0x1] =	wrdreg $0xFFFFFFFF  }
0xa7: {  	s28 =	simm.s32 $_size_execute0_lowered;
	s2 =	sadd.s32 s2, s4;
	[dreg:$0x0] =	wrdreg $0x0  }
0xa8: {  	s4 =	sshll.u32 s28, $0x1;
	[dreg:$0x2] =	wrdreg s2  }
0xa9: {  	[dreg:$0x3] =	wrdreg s4  }
0xaa: {  	[dreg:$0x4] =	wrdreg $0xC0  }
0xab: {  	_ =	task [dreg:s6], $0x5FFFF  }
0xac: {  	[dreg:$0x1] =	wrdreg $0xFFFFFFFF  }
0xad: {  	[dreg:$0x0] =	wrdreg $0x60  }
0xae: {  	[dreg:$0x2] =	wrdreg s24  }
0xaf: {  	[dreg:$0x3] =	wrdreg $0x50800  }
0xb0: {  	[dreg:$0x4] =	wrdreg $0x9  }
0xb1: {  	_ =	task.clear_ibuf [dreg:s6], $0x5FFFF;
	_ =	strace $0x90000046  }
0xb2: {  	s29 =	simm.s32 $0x9;
	_ =	strace $0x80000048  }
0xb3: {  	_ =	swait.ge [sflag:s29], $0x1  }
0xb4: {  	[sflag:s29] =	ssyncadd.s32 $0xFFFFFFFF  }
0xb5: {  	_ =	strace $0x90000048  }
0xb6: {  	_ =	sfence  }
0xb7: {  	s30 =	sld [smem:$0x0];
	_ =	sdelay $0x2  }
0xb8: {  	s31 =	sshll.u32 s1, $0xD;
	s1 =	sshrl.u32 s1, $0x2  }
0xb9: {  	s3 =	sand.u32 $0x4000, s31;
	s1 =	sadd.s32 s1, s30  }
0xba: {  	s0 =	sor.u32 s3, s0;
	s1 =	sshll.u32 s1, $0x11  }
0xbb: {  	s0 =	sor.u32 s1, s0  }
0xbc: {  	s0 =	sadd.s32 $0x8F2B, s0  }
0xbd: {  	[sflag:s0] =	ssyncadd.remote.s32 $0x1  }
0xbe: {  	_ =	sfence.sel $0xFFFF  }
0xbf: {  	[dreg:$0x0] =	wrdreg $0xFFFFFFFF;
	(pc) =	sbr.abs _section_cstart, $3  }
0xc0: {  	[dreg:$0x1] =	wrdreg $0xFFFFFFFF  }
0xc1: {  	_ =	task.clear_ibuf [dreg:s6], $0x2FFFF;
	_ =	strace $0x9FFFFFFF  }
0xc2: {  	(tm) =	ssettm $0x7FFFFFFF  }
0xc3: {  	_ =	shalt  }
tec
execute0_lowered:
.L_overlay_start_1:
0x0: {  	(tag) =	ssettag $0x1  }
0x1: {  	s0 =	srdreg.scid;
	s3 =	rddreg [dreg:$0x0]  }
0x2: {  	s9 =	stileid.u32;
	s1 =	rddreg [dreg:$0x1];
	s2 =	simm.s32 $0x0  }
0x3: {  	s4 =	sand.u32 $0x1, s0;
	s6 =	smul.u32 $0x2800, s9;
	s0 =	rddreg [dreg:$0x2]  }
0x4: {  	s14 =	simm.s32 $0x0;
	[smem:$0x7FF] =	sst s2;
	s8 =	smul.u32 $0xA00, s9  }
0x5: {  	s12 =	smul.u32 $0xA0, s9;
	p0 =	sne.s32 s9, $0x0;
	s13 =	sshll.u32 s9, $0x6  }
0x6: {  	s5 =	smul.u32 $0x28000, s4;
	s30 =	ssub.s32 $0x2, s4;
	s4 =	sshll.u32 s4, $0x4  }
0x7: {  	_ =	strace $0x80000047;
	s7 =	sshrl.u32 s30, $0x1;
	s4 =	sadd.s32 s4, s3  }
0x8: {  	s31 =	sshrl.u32 s8, $0x2;
	s8 =	simm.s32 $0x2800;
	s5 =	sadd.s32 s6, s5  }
0x9: {  	s6 =	ssub.s32 s30, s7;
	s10 =	sadd.s32 $0xC600, s4;
	s11 =	sadd.s32 s31, s1  }
0xa: {  	s7 =	simm.s32 $0x7D;
	s5 =	sshrl.u32 s5, $0x3;
	s4 =	smax.u32 s6, $0x1  }
0xb: {  	s6 =	simm.s32 $0x2880;
	s9 =	sadd.s32 s12, s10;
	s10 =	sor.u32 $0x1C01, s13  }
0xc: {  	s11 =	sshrl.u32 s11, $0x3;
	s12 =	simm.s32 $0x20;
	s5 =	sadd.s32 s5, s3  }
0xd: {  	v0 =	vimm.f32 $1.000000000e+00;
	v1 =	vimm.f32 $0.0e+00;
	s13 =	simm.s32 $0x10;
	s3 =	sadd.s32 $0x2600, s5;
	s5 =	simm.s32 $0x1  }
.LBB2_1:
0xe: {  	[tilespmem:s2], [sflag:$0x1] =	stream.linear.gather [hbm4b:s3+s2], $0x2800, $0x38;
	[tilespmem:$0x5300] =	vst v63  }
0xf: {  	_ =	swait.ge [sflag:s5], $0x2800  }
0x10: {  	[sflag:s5] =	ssyncset.done $0x0  }
0x11: {  	[sflag:s5] =	ssyncadd.s32 $0xFFFFD800  }
0x12: {  	[tilespmem:$0x2800] =	vst v0  }
0x13: {  	[tilespmem:$0x2810] =	vst v0  }
0x14: {  	[tilespmem:$0x2820] =	vst v0  }
.Ltmp0:
0x15: {  	[tilespmem:$0x2830] =	vst v0;
	(pc) =	sbr.rel @p0 .LBB2_5-.Ltmp0, $4  }
0x16: {  	[tilespmem:$0x2840] =	vst v0  }
0x17: {  	[tilespmem:$0x2850] =	vst v0  }
0x18: {  	[tilespmem:$0x2860] =	vst v0  }
0x19: {  	[tilespmem:$0x2870] =	vst v0  }
0x1a: {  	s15 =	simm.s32 $0x40;
	s16 =	simm.s32 $0x0  }
.LBB2_3:
0x1b: {  	p1 =	sne.s32 s15, $0x9FC0;
	[tilespmem:s16+$0x2880] =	vst v1;
	s16 =	smov.u32 s15;
	s15 =	sadd.s32 $0x40, s15  }
.Ltmp1:
0x1c: {  	(pc) =	sbr.rel @p1 .LBB2_3-.Ltmp1, $2  }
0x1d: {  	_ =	sdelay $0x2  }
0x1e: {  	s16 =	sshra.s32 s16, $0x2  }
0x1f: {  	[tilespmem:s16+$0x2880] =	vst v1  }
0x20: {  	[spmem:s1] =	stream.linear.scatter [tilespmem:s6], [sflag:$0x1], $0x2800, $0x38;
	[tilespmem:$0x5300] =	vst v63  }
0x21: {  	_ =	swait.ge [sflag:s5], $0x2800  }
0x22: {  	[sflag:s5] =	ssyncset.done $0x0  }
0x23: {  	[sflag:s5] =	ssyncadd.s32 $0xFFFFD800  }
.LBB2_5:
0x24: {  	[bflag:$0x0] =	sbarrier.arrive $0xFFFF;
	s15 =	simm.s32 $0x0  }
0x25: {  	[spmem:s1] =	stream.indirect.scatter.add.f32 [tilespmem:s8], [sflag:$0x1], $0x1, s15, s7, $0xb8;
	[tilespmem:$0x5300] =	vst v63  }
0x26: {  	_ =	swait.ge [sflag:s5], $0x7D  }
0x27: {  	s15 =	simm.s32 $0x200;
	[sflag:s5] =	ssyncset.done $0x0  }
.LBB2_6:
0x28: {  	s16 =	sshra.s32 s15, $0x2;
	[sflag:s5] =	ssyncadd.s32 $0xFFFFFF83;
	p1 =	sne.s32 s15, $0x9E00  }
0x29: {  	[spmem:s1] =	stream.indirect.scatter.add.f32 [tilespmem:s8], [sflag:$0x1], $0x1, s16, s7, $0xb8;
	[tilespmem:$0x5300] =	vst v63  }
.Ltmp2:
0x2a: {  	_ = 	snop;
	(pc) =	sbr.rel @p1 .LBB2_6-.Ltmp2, $4  }
0x2b: {  	_ = 	snop  }
0x2c: {  	s15 =	sadd.s32 $0x200, s15  }
0x2d: {  	_ =	swait.ge [sflag:s5], $0x7D  }
0x2e: {  	[sflag:s5] =	ssyncset.done $0x0  }
0x2f: {  	s14 =	sadd.s32 $0x1, s14  }
0x30: {  	[sflag:s5] =	ssyncadd.s32 $0xFFFFFF83;
	p1 =	sne.s32 s14, s4  }
.Ltmp3:
0x31: {  	[bflag:$0x0] =	sbarrier.arrive $0xFFFF;
	(pc) =	sbr.rel @p1 .LBB2_1-.Ltmp3, $4  }
0x32: {  	[hbm:s9@s12], [sflag:s10] =	dma.strided [spmem:s11@s13], $0x50, s5, $0x10   }
0x33: {  	_ =	swait.ge [sflag:s5], $0x50  }
0x34: {  	[sflag:s5] =	ssyncset.done $0x0  }
0x35: {  	[sflag:s5] =	ssyncadd.s32 $0xFFFFFFB0  }
0x36: {  	_ =	sfence.sel $0x180000  }
0x37: {  	[bflag:$0x0] =	sbarrier.arrive $0xFFFF  }
0x38: {  	_ =	strace $0x90000047  }
0x39: {  	s0 =	sadd.s32 @!p0 $0x100000, s0;
	[bflag:$0x2] =	sbarrier.arrive $0xFFFF  }
0x3a: {  	[sflag:s0] =	ssyncadd.tile.s32 @!p0 $0x1;
	_ =	shalt  }
.Lfunc_end2:
_tile_overlayer_lowered:
.L_overlay_start_2:
0x3b: {  	(tag) =	ssettag $0x2  }
0x3c: {  	s0 =	rddreg [dreg:$0x0];
	s2 =	stileid.u32  }
0x3d: {  	s1 =	rddreg [dreg:$0x1];
	p0 =	sne.s32 s2, $0x0  }
0x3e: {  	s3 =	rddreg [dreg:$0x2];
	[bflag:$0x3] =	sbarrier.arrive $0xFFFF;
	s2 =	simm.s32 @!p0 $0x1C01  }
0x3f: {  	[timem:s3], [sflag:s2] =	dma.local @!p0 [hbm:s0], s1  }
0x40: {  	s0 =	simm.s32 @!p0 $0x1  }
0x41: {  	_ =	swait.ge @!p0 [sflag:s0], s1  }
0x42: {  	s1 =	ssub.s32 @!p0 $0x0, s1;
	[sflag:s0] =	ssyncset.done @!p0 $0x0  }
0x43: {  	[sflag:s0] =	ssyncadd.s32 @!p0 s1  }
0x44: {  	[bflag:$0x3] =	sbarrier.arrive $0xFFFF  }
0x45: {  	_ =	shalt  }

</sc_bundles>
